<compile_context>
chip_gen: v7x
topology: tpu7x:2x2x1
jax: 0.10.2.dev20260603
libtpu: 0.0.44.dev20260713+nightly
codegen_flags: <defaults>
</compile_context>

<pallas_src>
import functools

import jax
import jax.numpy as jnp
from jax import lax
from jax.experimental import pallas as pl
from jax.experimental.pallas import tpu as pltpu
from jax.experimental.pallas import tpu_sc as plsc

N = 10000
E = 320000
D = 128

NC = 2
NS = 16
NW = NC * NS

EPW = E // NW
K = 80
C = EPW // K
KM = 100
CM = EPW // KM
RING = 2

_mesh = plsc.VectorSubcoreMesh(core_axis_name="c", subcore_axis_name="s")
_sc_params = pltpu.CompilerParams(use_tc_tiling_on_sc=False)


@functools.partial(
    pl.kernel,
    out_type=jax.ShapeDtypeStruct((NC * N,), jnp.float32),
    mesh=_mesh,
    compiler_params=_sc_params,
    scratch_types=[
        pltpu.VMEM((CM, KM), jnp.int32),
        pltpu.VMEM((112,), jnp.float32),
        pltpu.VMEM_SHARED((N,), jnp.float32),
    ],
)
def _deg_kernel(dst_hbm, z1_hbm, deg_out, dst_v, ones_v, acc):
    c = lax.axis_index("c")
    s = lax.axis_index("s")
    w = c * NS + s
    pltpu.sync_copy(dst_hbm.at[w], dst_v)
    for i in range(112 // 16):
        ones_v[pl.ds(i * 16, 16)] = jnp.full((16,), 1.0, jnp.float32)
    @pl.when(s < 10)
    def _():
        off = pl.multiple_of(s * 1000, 1000)
        pltpu.sync_copy(z1_hbm, acc.at[pl.ds(off, 1000)])
    plsc.subcore_barrier()

    def body(j, carry):
        pltpu.sync_copy(ones_v.at[pl.ds(0, KM)], acc.at[dst_v.at[j]],
                        add=True)
        return carry

    lax.fori_loop(0, CM, body, 0)
    plsc.subcore_barrier()

    @pl.when(s < 10)
    def _():
        off = pl.multiple_of(s * 1000, 1000)
        offo = pl.multiple_of(c * N + s * 1000, 1000)
        pltpu.sync_copy(acc.at[pl.ds(off, 1000)], deg_out.at[pl.ds(offo, 1000)])


@functools.partial(
    pl.kernel,
    out_type=jax.ShapeDtypeStruct((NC, N, D), jnp.float32),
    mesh=_mesh,
    compiler_params=_sc_params,
    scratch_types=[
        pltpu.VMEM((CM, KM), jnp.int32),
        pltpu.VMEM((CM, KM), jnp.int32),
        pltpu.VMEM((RING, KM, D), jnp.float32),
        pltpu.VMEM_SHARED((N, D), jnp.float32),
        [pltpu.SemaphoreType.DMA] * RING,
    ],
)
def _msg_kernel(g_hbm, src_hbm, dst_hbm, z2_hbm, q_out,
                src_v, dst_v, rows_v, acc, gsems):
    c = lax.axis_index("c")
    s = lax.axis_index("s")
    w = c * NS + s
    pltpu.sync_copy(src_hbm.at[w], src_v)
    pltpu.sync_copy(dst_hbm.at[w], dst_v)

    def gissue(q, b):
        pltpu.async_copy(g_hbm.at[src_v.at[q]], rows_v.at[b], gsems[b])

    def gwait(q, b):
        pltpu.make_async_copy(g_hbm.at[src_v.at[q]], rows_v.at[b],
                              gsems[b]).wait()

    for b in range(RING):
        gissue(b, b)
    @pl.when(s < 10)
    def _():
        off = pl.multiple_of(s * 1000, 1000)
        pltpu.sync_copy(z2_hbm, acc.at[pl.ds(off, 1000)])
    plsc.subcore_barrier()

    def ring_body(j2, carry):
        j = j2 * RING
        for b in range(RING):
            gwait(j + b, b)
            pltpu.sync_copy(rows_v.at[b], acc.at[dst_v.at[j + b]], add=True)

            @pl.when(j + RING + b < CM)
            def _():
                gissue(j + RING + b, b)
        return carry

    lax.fori_loop(0, CM // RING, ring_body, 0)
    plsc.subcore_barrier()

    @pl.when(s < 10)
    def _():
        off = pl.multiple_of(s * 1000, 1000)
        pltpu.sync_copy(acc.at[pl.ds(off, 1000)], q_out.at[c, pl.ds(off, 1000)])


ROWS_BLK = 1000


def _lin_body(x_ref, w_ref, degp_ref, g_ref, dis_ref):
    deg = degp_ref[:, 0] + degp_ref[:, 1]
    dis = jnp.where(deg > 0, lax.rsqrt(jnp.maximum(deg, 1e-12)), 0.0)
    h = lax.dot_general(x_ref[...], w_ref[...],
                        (((1,), (1,)), ((), ())),
                        preferred_element_type=jnp.float32)
    g_ref[...] = h * dis[:, None]
    dis_ref[...] = dis[:, None]


def _linear_scale(x, W, deg_partials):
    grid = N // ROWS_BLK
    return pl.pallas_call(
        _lin_body,
        grid=(grid,),
        in_specs=[
            pl.BlockSpec((ROWS_BLK, D), lambda i: (i, 0)),
            pl.BlockSpec((D, D), lambda i: (0, 0)),
            pl.BlockSpec((ROWS_BLK, NC), lambda i: (i, 0)),
        ],
        out_specs=[
            pl.BlockSpec((ROWS_BLK, D), lambda i: (i, 0)),
            pl.BlockSpec((ROWS_BLK, 1), lambda i: (i, 0)),
        ],
        out_shape=[
            jax.ShapeDtypeStruct((N, D), jnp.float32),
            jax.ShapeDtypeStruct((N, 1), jnp.float32),
        ],
    )(x, W, deg_partials)


def _fin_body(q_ref, dis_ref, b_ref, o_ref):
    q = q_ref[0] + q_ref[1]
    o_ref[...] = jnp.maximum(q * dis_ref[...] + b_ref[...], 0.0)


def _finalize(q_partials, dis, b2):
    grid = N // ROWS_BLK
    return pl.pallas_call(
        _fin_body,
        grid=(grid,),
        in_specs=[
            pl.BlockSpec((NC, ROWS_BLK, D), lambda i: (0, i, 0)),
            pl.BlockSpec((ROWS_BLK, 1), lambda i: (i, 0)),
            pl.BlockSpec((1, D), lambda i: (0, 0)),
        ],
        out_specs=pl.BlockSpec((ROWS_BLK, D), lambda i: (i, 0)),
        out_shape=jax.ShapeDtypeStruct((N, D), jnp.float32),
    )(q_partials, dis, b2)


def kernel(x, edge_index, W, b):
    ei = edge_index.astype(jnp.int32)
    src3 = ei[0].reshape(NW, CM, KM)
    dst3 = ei[1].reshape(NW, CM, KM)
    z1 = jnp.zeros((1000,), jnp.float32)
    z2 = jnp.zeros((1000, D), jnp.float32)
    b2 = b.reshape(1, D).astype(jnp.float32)

    deg_partials = _deg_kernel(dst3, z1)
    g, dis = _linear_scale(x, W, deg_partials.reshape(NC, N).T)
    q_partials = _msg_kernel(g, src3, dst3, z2)
    return _finalize(q_partials, dis, b2)

# --- scband reference (transcript-rebuilt; emitter-appended) ---
"""Pipeline reference for scband-gnnlayer-43671227466246 (READ-ONLY COPY).

The authoritative reference and input builder live on the scoring server;
editing this copy changes nothing except your own understanding.
"""

import jax, jax.numpy as jnp
import numpy as np

N_NODES = 10000
N_EDGES = 320000
D_IN = 128
D_OUT = 128

def setup_inputs(seed: int = 0) -> dict:
    key = jax.random.key(seed)
    k1, k2, k3 = jax.random.split(key, 3)
    x = jax.random.normal(k1, (N_NODES, D_IN), dtype=jnp.float32)
    edge_index = jax.random.randint(k2, (2, N_EDGES), 0, N_NODES, dtype=jnp.int64)
    # GCNConv linear weight (glorot-style init) and bias
    limit = float(np.sqrt(6.0 / (D_IN + D_OUT)))
    W = jax.random.uniform(k3, (D_OUT, D_IN), dtype=jnp.float32, minval=-limit, maxval=limit)
    b = jnp.zeros((D_OUT,), dtype=jnp.float32)
    return {"x": x, "edge_index": edge_index, "W": W, "b": b}

def reference(x, edge_index, W, b):
    # GCNConv(in, out, add_self_loops=False, normalize=True) followed by
    # Identity batch_norm, ReLU activation, no residual, dropout(p=0) == identity.
    N = x.shape[0]
    src = edge_index[0]
    dst = edge_index[1]
    # Linear transform (PyG applies lin before propagate)
    h = x @ W.T
    # Symmetric GCN normalization computed from edge weights (all ones),
    # degree accumulated on destination nodes (flow='source_to_target').
    deg = jnp.zeros((N,), dtype=h.dtype).at[dst].add(jnp.ones((src.shape[0],), dtype=h.dtype))
    deg_inv_sqrt = jnp.where(deg > 0, jax.lax.rsqrt(jnp.maximum(deg, 1e-12)), 0.0)
    norm = deg_inv_sqrt[src] * deg_inv_sqrt[dst]
    # Message passing: gather from src, scale, scatter-add to dst
    msgs = h[src] * norm[:, None]
    out = jnp.zeros_like(h).at[dst].add(msgs)
    out = out + b
    # batch_norm = Identity; activation = ReLU; residual = False; dropout p=0
    return jax.nn.relu(out)

if __name__ == "__main__":
    import jax
    _d = setup_inputs()
    print(jax.jit(kernel)(*tuple(_d.values())))

</pallas_src>

<mosaic_0001>
#map = affine_map<(d0, d1) -> (0, 0)>
#map1 = affine_map<(d0, d1) -> (0, 0, 0)>
module attributes {stable_mosaic.version = 14 : i64} {
  func.func @_msg_kernel(%arg0: i32, %arg1: i32, %arg2: memref<10000x128xf32, #tpu.memory_space<hbm>>, %arg3: memref<32x100x100xi32, #tpu.memory_space<hbm>>, %arg4: memref<32x100x100xi32, #tpu.memory_space<hbm>>, %arg5: memref<1000x128xf32, #tpu.memory_space<hbm>>, %arg6: memref<2x10000x128xf32, #tpu.memory_space<hbm>>, %arg7: memref<100x100xi32, #tpu.memory_space<vmem>>, %arg8: memref<100x100xi32, #tpu.memory_space<vmem>>, %arg9: memref<2x100x128xf32, #tpu.memory_space<vmem>>, %arg10: memref<10000x128xf32, #tpu.memory_space<vmem_shared>>, %arg11: memref<!tpu.dma_semaphore, #tpu.memory_space<semaphore_mem>>, %arg12: memref<!tpu.dma_semaphore, #tpu.memory_space<semaphore_mem>>) attributes {dimension_semantics = [#tpu.dimension_semantics<core_parallel>, #tpu.dimension_semantics<subcore_parallel>], iteration_bounds = array<i64: 2, 16>, scalar_prefetch = 0 : i64, scratch_operands = 6 : i64, tpu.core_type = #tpu.core_type<sc_vector_subcore>, window_params = [{transform_indices = #map}, {transform_indices = #map1}, {transform_indices = #map1}, {transform_indices = #map}, {transform_indices = #map1}]} {
    %mul3A = arith.constant 16 : i32
    %mul3A_0 = arith.muli %arg0, %mul3A : i32
    %add3A = arith.addi %mul3A_0, %arg1 : i32
    "tpu.region"() ({
      %run_scoped3A = tpu.sem_alloc : memref<!tpu.dma_semaphore, #tpu.memory_space<semaphore_mem>>
      %dma_start3A_37 = arith.constant 0 : i32
      %dma_start3A_38 = arith.constant 0 : i32
      %dma_start3A_39 = tpu.memref_slice %arg3[%add3A, %dma_start3A_37, %dma_start3A_38] : memref<32x100x100xi32, #tpu.memory_space<hbm>> -> memref<1x100x100xi32, #tpu.memory_space<hbm>>
      %dma_start3A_40 = tpu.memref_squeeze %dma_start3A_39 : memref<1x100x100xi32, #tpu.memory_space<hbm>> -> memref<100x100xi32, #tpu.memory_space<hbm>>
      %dma_start3A_41 = arith.constant 0 : i32
      %dma_start3A_42 = arith.constant 0 : i32
      %dma_start3A_43 = tpu.memref_slice %arg3[%add3A, %dma_start3A_41, %dma_start3A_42] : memref<32x100x100xi32, #tpu.memory_space<hbm>> -> memref<1x100x100xi32, #tpu.memory_space<hbm>>
      %dma_start3A_44 = tpu.memref_squeeze %dma_start3A_43 : memref<1x100x100xi32, #tpu.memory_space<hbm>> -> memref<100x100xi32, #tpu.memory_space<hbm>>
      tpu.enqueue_dma source(%dma_start3A_44 : memref<100x100xi32, #tpu.memory_space<hbm>>) target(%arg7 : memref<100x100xi32, #tpu.memory_space<vmem>>) target_semaphore(%run_scoped3A : memref<!tpu.dma_semaphore, #tpu.memory_space<semaphore_mem>>)
      %dma_wait3A = arith.constant 0 : i32
      %dma_wait3A_45 = arith.constant 0 : i32
      %dma_wait3A_46 = tpu.memref_slice %arg3[%add3A, %dma_wait3A, %dma_wait3A_45] : memref<32x100x100xi32, #tpu.memory_space<hbm>> -> memref<1x100x100xi32, #tpu.memory_space<hbm>>
      %dma_wait3A_47 = tpu.memref_squeeze %dma_wait3A_46 : memref<1x100x100xi32, #tpu.memory_space<hbm>> -> memref<100x100xi32, #tpu.memory_space<hbm>>
      %dma_wait3A_48 = arith.constant 0 : i32
      %dma_wait3A_49 = arith.constant 0 : i32
      %dma_wait3A_50 = tpu.memref_slice %arg3[%add3A, %dma_wait3A_48, %dma_wait3A_49] : memref<32x100x100xi32, #tpu.memory_space<hbm>> -> memref<1x100x100xi32, #tpu.memory_space<hbm>>
      %dma_wait3A_51 = tpu.memref_squeeze %dma_wait3A_50 : memref<1x100x100xi32, #tpu.memory_space<hbm>> -> memref<100x100xi32, #tpu.memory_space<hbm>>
      tpu.wait_dma2 semaphore(%run_scoped3A : memref<!tpu.dma_semaphore, #tpu.memory_space<semaphore_mem>>) src(%dma_wait3A_51 : memref<100x100xi32, #tpu.memory_space<hbm>>) dst(%arg7 : memref<100x100xi32, #tpu.memory_space<vmem>>)
      tpu.yield
    }) : () -> ()
    "tpu.region"() ({
      %run_scoped3A = tpu.sem_alloc : memref<!tpu.dma_semaphore, #tpu.memory_space<semaphore_mem>>
      %dma_start3A_37 = arith.constant 0 : i32
      %dma_start3A_38 = arith.constant 0 : i32
      %dma_start3A_39 = tpu.memref_slice %arg4[%add3A, %dma_start3A_37, %dma_start3A_38] : memref<32x100x100xi32, #tpu.memory_space<hbm>> -> memref<1x100x100xi32, #tpu.memory_space<hbm>>
      %dma_start3A_40 = tpu.memref_squeeze %dma_start3A_39 : memref<1x100x100xi32, #tpu.memory_space<hbm>> -> memref<100x100xi32, #tpu.memory_space<hbm>>
      %dma_start3A_41 = arith.constant 0 : i32
      %dma_start3A_42 = arith.constant 0 : i32
      %dma_start3A_43 = tpu.memref_slice %arg4[%add3A, %dma_start3A_41, %dma_start3A_42] : memref<32x100x100xi32, #tpu.memory_space<hbm>> -> memref<1x100x100xi32, #tpu.memory_space<hbm>>
      %dma_start3A_44 = tpu.memref_squeeze %dma_start3A_43 : memref<1x100x100xi32, #tpu.memory_space<hbm>> -> memref<100x100xi32, #tpu.memory_space<hbm>>
      tpu.enqueue_dma source(%dma_start3A_44 : memref<100x100xi32, #tpu.memory_space<hbm>>) target(%arg8 : memref<100x100xi32, #tpu.memory_space<vmem>>) target_semaphore(%run_scoped3A : memref<!tpu.dma_semaphore, #tpu.memory_space<semaphore_mem>>)
      %dma_wait3A = arith.constant 0 : i32
      %dma_wait3A_45 = arith.constant 0 : i32
      %dma_wait3A_46 = tpu.memref_slice %arg4[%add3A, %dma_wait3A, %dma_wait3A_45] : memref<32x100x100xi32, #tpu.memory_space<hbm>> -> memref<1x100x100xi32, #tpu.memory_space<hbm>>
      %dma_wait3A_47 = tpu.memref_squeeze %dma_wait3A_46 : memref<1x100x100xi32, #tpu.memory_space<hbm>> -> memref<100x100xi32, #tpu.memory_space<hbm>>
      %dma_wait3A_48 = arith.constant 0 : i32
      %dma_wait3A_49 = arith.constant 0 : i32
      %dma_wait3A_50 = tpu.memref_slice %arg4[%add3A, %dma_wait3A_48, %dma_wait3A_49] : memref<32x100x100xi32, #tpu.memory_space<hbm>> -> memref<1x100x100xi32, #tpu.memory_space<hbm>>
      %dma_wait3A_51 = tpu.memref_squeeze %dma_wait3A_50 : memref<1x100x100xi32, #tpu.memory_space<hbm>> -> memref<100x100xi32, #tpu.memory_space<hbm>>
      tpu.wait_dma2 semaphore(%run_scoped3A : memref<!tpu.dma_semaphore, #tpu.memory_space<semaphore_mem>>) src(%dma_wait3A_51 : memref<100x100xi32, #tpu.memory_space<hbm>>) dst(%arg8 : memref<100x100xi32, #tpu.memory_space<vmem>>)
      tpu.yield
    }) : () -> ()
    %dma_start3A = arith.constant 0 : i32
    %dma_start3A_1 = arith.constant 0 : i32
    %dma_start3A_2 = arith.constant 0 : i32
    %dma_start3A_3 = arith.constant 0 : i32
    %dma_start3A_4 = tpu.memref_slice %arg9[%dma_start3A_1, %dma_start3A_2, %dma_start3A_3] : memref<2x100x128xf32, #tpu.memory_space<vmem>> -> memref<1x100x128xf32, #tpu.memory_space<vmem>>
    %dma_start3A_5 = tpu.memref_squeeze %dma_start3A_4 : memref<1x100x128xf32, #tpu.memory_space<vmem>> -> memref<100x128xf32, #tpu.memory_space<vmem>>
    %dma_start3A_6 = arith.constant 0 : i32
    %dma_start3A_7 = tpu.memref_slice %arg7[%dma_start3A, %dma_start3A_6] : memref<100x100xi32, #tpu.memory_space<vmem>> -> memref<1x100xi32, #tpu.memory_space<vmem>>
    %dma_start3A_8 = tpu.memref_squeeze %dma_start3A_7 : memref<1x100xi32, #tpu.memory_space<vmem>> -> memref<100xi32, #tpu.memory_space<vmem>>
    %dma_start3A_9 = arith.constant 0 : i32
    %dma_start3A_10 = arith.constant 0 : i32
    %dma_start3A_11 = tpu.memref_slice %arg2[%dma_start3A_9, %dma_start3A_10] : memref<10000x128xf32, #tpu.memory_space<hbm>> -> memref<10000x128xf32, #tpu.memory_space<hbm>>
    tpu.enqueue_indirect_dma source(%dma_start3A_11 : memref<10000x128xf32, #tpu.memory_space<hbm>>) target(%dma_start3A_5 : memref<100x128xf32, #tpu.memory_space<vmem>>) offsets(%dma_start3A_8 : memref<100xi32, #tpu.memory_space<vmem>>) semaphore(%arg11 : memref<!tpu.dma_semaphore, #tpu.memory_space<semaphore_mem>>)
    %dma_start3A_12 = arith.constant 1 : i32
    %dma_start3A_13 = arith.constant 1 : i32
    %dma_start3A_14 = arith.constant 0 : i32
    %dma_start3A_15 = arith.constant 0 : i32
    %dma_start3A_16 = tpu.memref_slice %arg9[%dma_start3A_13, %dma_start3A_14, %dma_start3A_15] : memref<2x100x128xf32, #tpu.memory_space<vmem>> -> memref<1x100x128xf32, #tpu.memory_space<vmem>>
    %dma_start3A_17 = tpu.memref_squeeze %dma_start3A_16 : memref<1x100x128xf32, #tpu.memory_space<vmem>> -> memref<100x128xf32, #tpu.memory_space<vmem>>
    %dma_start3A_18 = arith.constant 0 : i32
    %dma_start3A_19 = tpu.memref_slice %arg7[%dma_start3A_12, %dma_start3A_18] : memref<100x100xi32, #tpu.memory_space<vmem>> -> memref<1x100xi32, #tpu.memory_space<vmem>>
    %dma_start3A_20 = tpu.memref_squeeze %dma_start3A_19 : memref<1x100xi32, #tpu.memory_space<vmem>> -> memref<100xi32, #tpu.memory_space<vmem>>
    %dma_start3A_21 = arith.constant 0 : i32
    %dma_start3A_22 = arith.constant 0 : i32
    %dma_start3A_23 = tpu.memref_slice %arg2[%dma_start3A_21, %dma_start3A_22] : memref<10000x128xf32, #tpu.memory_space<hbm>> -> memref<10000x128xf32, #tpu.memory_space<hbm>>
    tpu.enqueue_indirect_dma source(%dma_start3A_23 : memref<10000x128xf32, #tpu.memory_space<hbm>>) target(%dma_start3A_17 : memref<100x128xf32, #tpu.memory_space<vmem>>) offsets(%dma_start3A_20 : memref<100xi32, #tpu.memory_space<vmem>>) semaphore(%arg12 : memref<!tpu.dma_semaphore, #tpu.memory_space<semaphore_mem>>)
    %lt3A = arith.constant 10 : i32
    %lt3A_24 = arith.cmpi slt, %arg1, %lt3A : i32
    %convert_element_type3A = arith.extui %lt3A_24 : i1 to i32
    %cond3A = arith.constant 0 : i32
    %cond3A_25 = arith.cmpi ne, %convert_element_type3A, %cond3A : i32
    scf.if %cond3A_25 {
      %mul3A_37 = arith.constant 1000 : i32
      %mul3A_38 = arith.muli %arg1, %mul3A_37 : i32
      %multiple_of3A = tpu.assume_multiple %mul3A_38, 1000 : i32
      "tpu.region"() ({
        %run_scoped3A = tpu.sem_alloc : memref<!tpu.dma_semaphore, #tpu.memory_space<semaphore_mem>>
        %dma_start3A_39 = arith.constant 0 : i32
        %dma_start3A_40 = tpu.memref_slice %arg10[%multiple_of3A, %dma_start3A_39] : memref<10000x128xf32, #tpu.memory_space<vmem_shared>> -> memref<1000x128xf32, #tpu.memory_space<vmem_shared>>
        tpu.enqueue_dma source(%arg5 : memref<1000x128xf32, #tpu.memory_space<hbm>>) target(%dma_start3A_40 : memref<1000x128xf32, #tpu.memory_space<vmem_shared>>) target_semaphore(%run_scoped3A : memref<!tpu.dma_semaphore, #tpu.memory_space<semaphore_mem>>)
        %dma_wait3A = arith.constant 0 : i32
        %dma_wait3A_41 = tpu.memref_slice %arg10[%multiple_of3A, %dma_wait3A] : memref<10000x128xf32, #tpu.memory_space<vmem_shared>> -> memref<1000x128xf32, #tpu.memory_space<vmem_shared>>
        tpu.wait_dma2 semaphore(%run_scoped3A : memref<!tpu.dma_semaphore, #tpu.memory_space<semaphore_mem>>) src(%arg5 : memref<1000x128xf32, #tpu.memory_space<hbm>>) dst(%dma_wait3A_41 : memref<1000x128xf32, #tpu.memory_space<vmem_shared>>)
        tpu.yield
      }) : () -> ()
    } else {
    }
    %barrier3A = arith.constant 0 : index
    tpu.barrier barrier_id(%barrier3A)
    %scan3A = arith.constant 0 : i32
    %scan3A_26 = arith.constant 0 : i32
    %scan3A_27 = arith.constant 50 : i32
    %scan3A_28 = arith.addi %scan3A_26, %scan3A_27 : i32
    %scan3A_29 = arith.constant 1 : i32
    scf.for %scan3A_37 = %scan3A_26 to %scan3A_28 step %scan3A_29  : i32 {
      %mul3A_38 = arith.constant 2 : i32
      %mul3A_39 = arith.muli %scan3A_37, %mul3A_38 : i32
      %add3A_40 = arith.constant 0 : i32
      %add3A_41 = arith.addi %mul3A_39, %add3A_40 : i32
      %dma_wait3A = arith.constant 0 : i32
      %dma_wait3A_42 = arith.constant 0 : i32
      %dma_wait3A_43 = arith.constant 0 : i32
      %dma_wait3A_44 = tpu.memref_slice %arg9[%dma_wait3A, %dma_wait3A_42, %dma_wait3A_43] : memref<2x100x128xf32, #tpu.memory_space<vmem>> -> memref<1x100x128xf32, #tpu.memory_space<vmem>>
      %dma_wait3A_45 = tpu.memref_squeeze %dma_wait3A_44 : memref<1x100x128xf32, #tpu.memory_space<vmem>> -> memref<100x128xf32, #tpu.memory_space<vmem>>
      %dma_wait3A_46 = arith.constant 0 : i32
      %dma_wait3A_47 = tpu.memref_slice %arg7[%add3A_41, %dma_wait3A_46] : memref<100x100xi32, #tpu.memory_space<vmem>> -> memref<1x100xi32, #tpu.memory_space<vmem>>
      %dma_wait3A_48 = tpu.memref_squeeze %dma_wait3A_47 : memref<1x100xi32, #tpu.memory_space<vmem>> -> memref<100xi32, #tpu.memory_space<vmem>>
      %dma_wait3A_49 = arith.constant 0 : i32
      %dma_wait3A_50 = arith.constant 0 : i32
      %dma_wait3A_51 = tpu.memref_slice %arg2[%dma_wait3A_49, %dma_wait3A_50] : memref<10000x128xf32, #tpu.memory_space<hbm>> -> memref<10000x128xf32, #tpu.memory_space<hbm>>
      tpu.wait_indirect_dma semaphore(%arg11 : memref<!tpu.dma_semaphore, #tpu.memory_space<semaphore_mem>>) src(%dma_wait3A_51 : memref<10000x128xf32, #tpu.memory_space<hbm>>) dst(%dma_wait3A_45 : memref<100x128xf32, #tpu.memory_space<vmem>>)
      %add3A_52 = arith.constant 0 : i32
      %add3A_53 = arith.addi %mul3A_39, %add3A_52 : i32
      %run_scoped3A = arith.constant 0 : i32
      "tpu.region"() ({
        %run_scoped3A_88 = tpu.sem_alloc : memref<!tpu.dma_semaphore, #tpu.memory_space<semaphore_mem>>
        %dma_start3A_89 = arith.constant 0 : i32
        %dma_start3A_90 = arith.constant 0 : i32
        %dma_start3A_91 = tpu.memref_slice %arg9[%run_scoped3A, %dma_start3A_89, %dma_start3A_90] : memref<2x100x128xf32, #tpu.memory_space<vmem>> -> memref<1x100x128xf32, #tpu.memory_space<vmem>>
        %dma_start3A_92 = tpu.memref_squeeze %dma_start3A_91 : memref<1x100x128xf32, #tpu.memory_space<vmem>> -> memref<100x128xf32, #tpu.memory_space<vmem>>
        %dma_start3A_93 = arith.constant 0 : i32
        %dma_start3A_94 = tpu.memref_slice %arg8[%add3A_53, %dma_start3A_93] : memref<100x100xi32, #tpu.memory_space<vmem>> -> memref<1x100xi32, #tpu.memory_space<vmem>>
        %dma_start3A_95 = tpu.memref_squeeze %dma_start3A_94 : memref<1x100xi32, #tpu.memory_space<vmem>> -> memref<100xi32, #tpu.memory_space<vmem>>
        %dma_start3A_96 = arith.constant 0 : i32
        %dma_start3A_97 = arith.constant 0 : i32
        %dma_start3A_98 = tpu.memref_slice %arg10[%dma_start3A_96, %dma_start3A_97] : memref<10000x128xf32, #tpu.memory_space<vmem_shared>> -> memref<10000x128xf32, #tpu.memory_space<vmem_shared>>
        tpu.enqueue_indirect_dma source(%dma_start3A_92 : memref<100x128xf32, #tpu.memory_space<vmem>>) target(%dma_start3A_98 : memref<10000x128xf32, #tpu.memory_space<vmem_shared>>) offsets(%dma_start3A_95 : memref<100xi32, #tpu.memory_space<vmem>>) semaphore(%run_scoped3A_88 : memref<!tpu.dma_semaphore, #tpu.memory_space<semaphore_mem>>) {add = true}
        %dma_wait3A_99 = arith.constant 0 : i32
        %dma_wait3A_100 = arith.constant 0 : i32
        %dma_wait3A_101 = tpu.memref_slice %arg9[%run_scoped3A, %dma_wait3A_99, %dma_wait3A_100] : memref<2x100x128xf32, #tpu.memory_space<vmem>> -> memref<1x100x128xf32, #tpu.memory_space<vmem>>
        %dma_wait3A_102 = tpu.memref_squeeze %dma_wait3A_101 : memref<1x100x128xf32, #tpu.memory_space<vmem>> -> memref<100x128xf32, #tpu.memory_space<vmem>>
        %dma_wait3A_103 = arith.constant 0 : i32
        %dma_wait3A_104 = tpu.memref_slice %arg8[%add3A_53, %dma_wait3A_103] : memref<100x100xi32, #tpu.memory_space<vmem>> -> memref<1x100xi32, #tpu.memory_space<vmem>>
        %dma_wait3A_105 = tpu.memref_squeeze %dma_wait3A_104 : memref<1x100xi32, #tpu.memory_space<vmem>> -> memref<100xi32, #tpu.memory_space<vmem>>
        %dma_wait3A_106 = arith.constant 0 : i32
        %dma_wait3A_107 = arith.constant 0 : i32
        %dma_wait3A_108 = tpu.memref_slice %arg10[%dma_wait3A_106, %dma_wait3A_107] : memref<10000x128xf32, #tpu.memory_space<vmem_shared>> -> memref<10000x128xf32, #tpu.memory_space<vmem_shared>>
        tpu.wait_indirect_dma semaphore(%run_scoped3A_88 : memref<!tpu.dma_semaphore, #tpu.memory_space<semaphore_mem>>) src(%dma_wait3A_102 : memref<100x128xf32, #tpu.memory_space<vmem>>) dst(%dma_wait3A_108 : memref<10000x128xf32, #tpu.memory_space<vmem_shared>>)
        tpu.yield
      }) : () -> ()
      %add3A_54 = arith.constant 2 : i32
      %add3A_55 = arith.addi %mul3A_39, %add3A_54 : i32
      %add3A_56 = arith.constant 0 : i32
      %add3A_57 = arith.addi %add3A_55, %add3A_56 : i32
      %lt3A_58 = arith.constant 100 : i32
      %lt3A_59 = arith.cmpi slt, %add3A_57, %lt3A_58 : i32
      %convert_element_type3A_60 = arith.extui %lt3A_59 : i1 to i32
      %cond3A_61 = arith.constant 0 : i32
      %cond3A_62 = arith.cmpi ne, %convert_element_type3A_60, %cond3A_61 : i32
      scf.if %cond3A_62 {
        %add3A_88 = arith.constant 2 : i32
        %add3A_89 = arith.addi %mul3A_39, %add3A_88 : i32
        %add3A_90 = arith.constant 0 : i32
        %add3A_91 = arith.addi %add3A_89, %add3A_90 : i32
        %dma_start3A_92 = arith.constant 0 : i32
        %dma_start3A_93 = arith.constant 0 : i32
        %dma_start3A_94 = arith.constant 0 : i32
        %dma_start3A_95 = tpu.memref_slice %arg9[%dma_start3A_92, %dma_start3A_93, %dma_start3A_94] : memref<2x100x128xf32, #tpu.memory_space<vmem>> -> memref<1x100x128xf32, #tpu.memory_space<vmem>>
        %dma_start3A_96 = tpu.memref_squeeze %dma_start3A_95 : memref<1x100x128xf32, #tpu.memory_space<vmem>> -> memref<100x128xf32, #tpu.memory_space<vmem>>
        %dma_start3A_97 = arith.constant 0 : i32
        %dma_start3A_98 = tpu.memref_slice %arg7[%add3A_91, %dma_start3A_97] : memref<100x100xi32, #tpu.memory_space<vmem>> -> memref<1x100xi32, #tpu.memory_space<vmem>>
        %dma_start3A_99 = tpu.memref_squeeze %dma_start3A_98 : memref<1x100xi32, #tpu.memory_space<vmem>> -> memref<100xi32, #tpu.memory_space<vmem>>
        %dma_start3A_100 = arith.constant 0 : i32
        %dma_start3A_101 = arith.constant 0 : i32
        %dma_start3A_102 = tpu.memref_slice %arg2[%dma_start3A_100, %dma_start3A_101] : memref<10000x128xf32, #tpu.memory_space<hbm>> -> memref<10000x128xf32, #tpu.memory_space<hbm>>
        tpu.enqueue_indirect_dma source(%dma_start3A_102 : memref<10000x128xf32, #tpu.memory_space<hbm>>) target(%dma_start3A_96 : memref<100x128xf32, #tpu.memory_space<vmem>>) offsets(%dma_start3A_99 : memref<100xi32, #tpu.memory_space<vmem>>) semaphore(%arg11 : memref<!tpu.dma_semaphore, #tpu.memory_space<semaphore_mem>>)
      } else {
      }
      %add3A_63 = arith.constant 1 : i32
      %add3A_64 = arith.addi %mul3A_39, %add3A_63 : i32
      %dma_wait3A_65 = arith.constant 1 : i32
      %dma_wait3A_66 = arith.constant 0 : i32
      %dma_wait3A_67 = arith.constant 0 : i32
      %dma_wait3A_68 = tpu.memref_slice %arg9[%dma_wait3A_65, %dma_wait3A_66, %dma_wait3A_67] : memref<2x100x128xf32, #tpu.memory_space<vmem>> -> memref<1x100x128xf32, #tpu.memory_space<vmem>>
      %dma_wait3A_69 = tpu.memref_squeeze %dma_wait3A_68 : memref<1x100x128xf32, #tpu.memory_space<vmem>> -> memref<100x128xf32, #tpu.memory_space<vmem>>
      %dma_wait3A_70 = arith.constant 0 : i32
      %dma_wait3A_71 = tpu.memref_slice %arg7[%add3A_64, %dma_wait3A_70] : memref<100x100xi32, #tpu.memory_space<vmem>> -> memref<1x100xi32, #tpu.memory_space<vmem>>
      %dma_wait3A_72 = tpu.memref_squeeze %dma_wait3A_71 : memref<1x100xi32, #tpu.memory_space<vmem>> -> memref<100xi32, #tpu.memory_space<vmem>>
      %dma_wait3A_73 = arith.constant 0 : i32
      %dma_wait3A_74 = arith.constant 0 : i32
      %dma_wait3A_75 = tpu.memref_slice %arg2[%dma_wait3A_73, %dma_wait3A_74] : memref<10000x128xf32, #tpu.memory_space<hbm>> -> memref<10000x128xf32, #tpu.memory_space<hbm>>
      tpu.wait_indirect_dma semaphore(%arg12 : memref<!tpu.dma_semaphore, #tpu.memory_space<semaphore_mem>>) src(%dma_wait3A_75 : memref<10000x128xf32, #tpu.memory_space<hbm>>) dst(%dma_wait3A_69 : memref<100x128xf32, #tpu.memory_space<vmem>>)
      %add3A_76 = arith.constant 1 : i32
      %add3A_77 = arith.addi %mul3A_39, %add3A_76 : i32
      %run_scoped3A_78 = arith.constant 1 : i32
      "tpu.region"() ({
        %run_scoped3A_88 = tpu.sem_alloc : memref<!tpu.dma_semaphore, #tpu.memory_space<semaphore_mem>>
        %dma_start3A_89 = arith.constant 0 : i32
        %dma_start3A_90 = arith.constant 0 : i32
        %dma_start3A_91 = tpu.memref_slice %arg9[%run_scoped3A_78, %dma_start3A_89, %dma_start3A_90] : memref<2x100x128xf32, #tpu.memory_space<vmem>> -> memref<1x100x128xf32, #tpu.memory_space<vmem>>
        %dma_start3A_92 = tpu.memref_squeeze %dma_start3A_91 : memref<1x100x128xf32, #tpu.memory_space<vmem>> -> memref<100x128xf32, #tpu.memory_space<vmem>>
        %dma_start3A_93 = arith.constant 0 : i32
        %dma_start3A_94 = tpu.memref_slice %arg8[%add3A_77, %dma_start3A_93] : memref<100x100xi32, #tpu.memory_space<vmem>> -> memref<1x100xi32, #tpu.memory_space<vmem>>
        %dma_start3A_95 = tpu.memref_squeeze %dma_start3A_94 : memref<1x100xi32, #tpu.memory_space<vmem>> -> memref<100xi32, #tpu.memory_space<vmem>>
        %dma_start3A_96 = arith.constant 0 : i32
        %dma_start3A_97 = arith.constant 0 : i32
        %dma_start3A_98 = tpu.memref_slice %arg10[%dma_start3A_96, %dma_start3A_97] : memref<10000x128xf32, #tpu.memory_space<vmem_shared>> -> memref<10000x128xf32, #tpu.memory_space<vmem_shared>>
        tpu.enqueue_indirect_dma source(%dma_start3A_92 : memref<100x128xf32, #tpu.memory_space<vmem>>) target(%dma_start3A_98 : memref<10000x128xf32, #tpu.memory_space<vmem_shared>>) offsets(%dma_start3A_95 : memref<100xi32, #tpu.memory_space<vmem>>) semaphore(%run_scoped3A_88 : memref<!tpu.dma_semaphore, #tpu.memory_space<semaphore_mem>>) {add = true}
        %dma_wait3A_99 = arith.constant 0 : i32
        %dma_wait3A_100 = arith.constant 0 : i32
        %dma_wait3A_101 = tpu.memref_slice %arg9[%run_scoped3A_78, %dma_wait3A_99, %dma_wait3A_100] : memref<2x100x128xf32, #tpu.memory_space<vmem>> -> memref<1x100x128xf32, #tpu.memory_space<vmem>>
        %dma_wait3A_102 = tpu.memref_squeeze %dma_wait3A_101 : memref<1x100x128xf32, #tpu.memory_space<vmem>> -> memref<100x128xf32, #tpu.memory_space<vmem>>
        %dma_wait3A_103 = arith.constant 0 : i32
        %dma_wait3A_104 = tpu.memref_slice %arg8[%add3A_77, %dma_wait3A_103] : memref<100x100xi32, #tpu.memory_space<vmem>> -> memref<1x100xi32, #tpu.memory_space<vmem>>
        %dma_wait3A_105 = tpu.memref_squeeze %dma_wait3A_104 : memref<1x100xi32, #tpu.memory_space<vmem>> -> memref<100xi32, #tpu.memory_space<vmem>>
        %dma_wait3A_106 = arith.constant 0 : i32
        %dma_wait3A_107 = arith.constant 0 : i32
        %dma_wait3A_108 = tpu.memref_slice %arg10[%dma_wait3A_106, %dma_wait3A_107] : memref<10000x128xf32, #tpu.memory_space<vmem_shared>> -> memref<10000x128xf32, #tpu.memory_space<vmem_shared>>
        tpu.wait_indirect_dma semaphore(%run_scoped3A_88 : memref<!tpu.dma_semaphore, #tpu.memory_space<semaphore_mem>>) src(%dma_wait3A_102 : memref<100x128xf32, #tpu.memory_space<vmem>>) dst(%dma_wait3A_108 : memref<10000x128xf32, #tpu.memory_space<vmem_shared>>)
        tpu.yield
      }) : () -> ()
      %add3A_79 = arith.constant 2 : i32
      %add3A_80 = arith.addi %mul3A_39, %add3A_79 : i32
      %add3A_81 = arith.constant 1 : i32
      %add3A_82 = arith.addi %add3A_80, %add3A_81 : i32
      %lt3A_83 = arith.constant 100 : i32
      %lt3A_84 = arith.cmpi slt, %add3A_82, %lt3A_83 : i32
      %convert_element_type3A_85 = arith.extui %lt3A_84 : i1 to i32
      %cond3A_86 = arith.constant 0 : i32
      %cond3A_87 = arith.cmpi ne, %convert_element_type3A_85, %cond3A_86 : i32
      scf.if %cond3A_87 {
        %add3A_88 = arith.constant 2 : i32
        %add3A_89 = arith.addi %mul3A_39, %add3A_88 : i32
        %add3A_90 = arith.constant 1 : i32
        %add3A_91 = arith.addi %add3A_89, %add3A_90 : i32
        %dma_start3A_92 = arith.constant 1 : i32
        %dma_start3A_93 = arith.constant 0 : i32
        %dma_start3A_94 = arith.constant 0 : i32
        %dma_start3A_95 = tpu.memref_slice %arg9[%dma_start3A_92, %dma_start3A_93, %dma_start3A_94] : memref<2x100x128xf32, #tpu.memory_space<vmem>> -> memref<1x100x128xf32, #tpu.memory_space<vmem>>
        %dma_start3A_96 = tpu.memref_squeeze %dma_start3A_95 : memref<1x100x128xf32, #tpu.memory_space<vmem>> -> memref<100x128xf32, #tpu.memory_space<vmem>>
        %dma_start3A_97 = arith.constant 0 : i32
        %dma_start3A_98 = tpu.memref_slice %arg7[%add3A_91, %dma_start3A_97] : memref<100x100xi32, #tpu.memory_space<vmem>> -> memref<1x100xi32, #tpu.memory_space<vmem>>
        %dma_start3A_99 = tpu.memref_squeeze %dma_start3A_98 : memref<1x100xi32, #tpu.memory_space<vmem>> -> memref<100xi32, #tpu.memory_space<vmem>>
        %dma_start3A_100 = arith.constant 0 : i32
        %dma_start3A_101 = arith.constant 0 : i32
        %dma_start3A_102 = tpu.memref_slice %arg2[%dma_start3A_100, %dma_start3A_101] : memref<10000x128xf32, #tpu.memory_space<hbm>> -> memref<10000x128xf32, #tpu.memory_space<hbm>>
        tpu.enqueue_indirect_dma source(%dma_start3A_102 : memref<10000x128xf32, #tpu.memory_space<hbm>>) target(%dma_start3A_96 : memref<100x128xf32, #tpu.memory_space<vmem>>) offsets(%dma_start3A_99 : memref<100xi32, #tpu.memory_space<vmem>>) semaphore(%arg12 : memref<!tpu.dma_semaphore, #tpu.memory_space<semaphore_mem>>)
      } else {
      }
    }
    %scan3A_30 = arith.constant 50 : i32
    %barrier3A_31 = arith.constant 0 : index
    tpu.barrier barrier_id(%barrier3A_31)
    %lt3A_32 = arith.constant 10 : i32
    %lt3A_33 = arith.cmpi slt, %arg1, %lt3A_32 : i32
    %convert_element_type3A_34 = arith.extui %lt3A_33 : i1 to i32
    %cond3A_35 = arith.constant 0 : i32
    %cond3A_36 = arith.cmpi ne, %convert_element_type3A_34, %cond3A_35 : i32
    scf.if %cond3A_36 {
      %mul3A_37 = arith.constant 1000 : i32
      %mul3A_38 = arith.muli %arg1, %mul3A_37 : i32
      %multiple_of3A = tpu.assume_multiple %mul3A_38, 1000 : i32
      "tpu.region"() ({
        %run_scoped3A = tpu.sem_alloc : memref<!tpu.dma_semaphore, #tpu.memory_space<semaphore_mem>>
        %dma_start3A_39 = arith.constant 0 : i32
        %dma_start3A_40 = tpu.memref_slice %arg6[%arg0, %multiple_of3A, %dma_start3A_39] : memref<2x10000x128xf32, #tpu.memory_space<hbm>> -> memref<1x1000x128xf32, #tpu.memory_space<hbm>>
        %dma_start3A_41 = tpu.memref_squeeze %dma_start3A_40 : memref<1x1000x128xf32, #tpu.memory_space<hbm>> -> memref<1000x128xf32, #tpu.memory_space<hbm>>
        %dma_start3A_42 = arith.constant 0 : i32
        %dma_start3A_43 = tpu.memref_slice %arg10[%multiple_of3A, %dma_start3A_42] : memref<10000x128xf32, #tpu.memory_space<vmem_shared>> -> memref<1000x128xf32, #tpu.memory_space<vmem_shared>>
        tpu.enqueue_dma source(%dma_start3A_43 : memref<1000x128xf32, #tpu.memory_space<vmem_shared>>) target(%dma_start3A_41 : memref<1000x128xf32, #tpu.memory_space<hbm>>) target_semaphore(%run_scoped3A : memref<!tpu.dma_semaphore, #tpu.memory_space<semaphore_mem>>)
        %dma_wait3A = arith.constant 0 : i32
        %dma_wait3A_44 = tpu.memref_slice %arg6[%arg0, %multiple_of3A, %dma_wait3A] : memref<2x10000x128xf32, #tpu.memory_space<hbm>> -> memref<1x1000x128xf32, #tpu.memory_space<hbm>>
        %dma_wait3A_45 = tpu.memref_squeeze %dma_wait3A_44 : memref<1x1000x128xf32, #tpu.memory_space<hbm>> -> memref<1000x128xf32, #tpu.memory_space<hbm>>
        %dma_wait3A_46 = arith.constant 0 : i32
        %dma_wait3A_47 = tpu.memref_slice %arg10[%multiple_of3A, %dma_wait3A_46] : memref<10000x128xf32, #tpu.memory_space<vmem_shared>> -> memref<1000x128xf32, #tpu.memory_space<vmem_shared>>
        tpu.wait_dma2 semaphore(%run_scoped3A : memref<!tpu.dma_semaphore, #tpu.memory_space<semaphore_mem>>) src(%dma_wait3A_47 : memref<1000x128xf32, #tpu.memory_space<vmem_shared>>) dst(%dma_wait3A_45 : memref<1000x128xf32, #tpu.memory_space<hbm>>)
        tpu.yield
      }) : () -> ()
    } else {
    }
    return
  }
}

#map = affine_map<(d0, d1) -> (0, 0, 0)>
#map1 = affine_map<(d0, d1) -> (0)>
module attributes {stable_mosaic.version = 14 : i64} {
  func.func @_deg_kernel(%arg0: i32, %arg1: i32, %arg2: memref<32x100x100xi32, #tpu.memory_space<hbm>>, %arg3: memref<1000xf32, #tpu.memory_space<hbm>>, %arg4: memref<20000xf32, #tpu.memory_space<hbm>>, %arg5: memref<100x100xi32, #tpu.memory_space<vmem>>, %arg6: memref<112xf32, #tpu.memory_space<vmem>>, %arg7: memref<10000xf32, #tpu.memory_space<vmem_shared>>) attributes {dimension_semantics = [#tpu.dimension_semantics<core_parallel>, #tpu.dimension_semantics<subcore_parallel>], iteration_bounds = array<i64: 2, 16>, scalar_prefetch = 0 : i64, scratch_operands = 3 : i64, tpu.core_type = #tpu.core_type<sc_vector_subcore>, window_params = [{transform_indices = #map}, {transform_indices = #map1}, {transform_indices = #map1}]} {
    %mul3A = arith.constant 16 : i32
    %mul3A_0 = arith.muli %arg0, %mul3A : i32
    %add3A = arith.addi %mul3A_0, %arg1 : i32
    "tpu.region"() ({
      %run_scoped3A = tpu.sem_alloc : memref<!tpu.dma_semaphore, #tpu.memory_space<semaphore_mem>>
      %dma_start3A = arith.constant 0 : i32
      %dma_start3A_54 = arith.constant 0 : i32
      %dma_start3A_55 = tpu.memref_slice %arg2[%add3A, %dma_start3A, %dma_start3A_54] : memref<32x100x100xi32, #tpu.memory_space<hbm>> -> memref<1x100x100xi32, #tpu.memory_space<hbm>>
      %dma_start3A_56 = tpu.memref_squeeze %dma_start3A_55 : memref<1x100x100xi32, #tpu.memory_space<hbm>> -> memref<100x100xi32, #tpu.memory_space<hbm>>
      %dma_start3A_57 = arith.constant 0 : i32
      %dma_start3A_58 = arith.constant 0 : i32
      %dma_start3A_59 = tpu.memref_slice %arg2[%add3A, %dma_start3A_57, %dma_start3A_58] : memref<32x100x100xi32, #tpu.memory_space<hbm>> -> memref<1x100x100xi32, #tpu.memory_space<hbm>>
      %dma_start3A_60 = tpu.memref_squeeze %dma_start3A_59 : memref<1x100x100xi32, #tpu.memory_space<hbm>> -> memref<100x100xi32, #tpu.memory_space<hbm>>
      tpu.enqueue_dma source(%dma_start3A_60 : memref<100x100xi32, #tpu.memory_space<hbm>>) target(%arg5 : memref<100x100xi32, #tpu.memory_space<vmem>>) target_semaphore(%run_scoped3A : memref<!tpu.dma_semaphore, #tpu.memory_space<semaphore_mem>>)
      %dma_wait3A = arith.constant 0 : i32
      %dma_wait3A_61 = arith.constant 0 : i32
      %dma_wait3A_62 = tpu.memref_slice %arg2[%add3A, %dma_wait3A, %dma_wait3A_61] : memref<32x100x100xi32, #tpu.memory_space<hbm>> -> memref<1x100x100xi32, #tpu.memory_space<hbm>>
      %dma_wait3A_63 = tpu.memref_squeeze %dma_wait3A_62 : memref<1x100x100xi32, #tpu.memory_space<hbm>> -> memref<100x100xi32, #tpu.memory_space<hbm>>
      %dma_wait3A_64 = arith.constant 0 : i32
      %dma_wait3A_65 = arith.constant 0 : i32
      %dma_wait3A_66 = tpu.memref_slice %arg2[%add3A, %dma_wait3A_64, %dma_wait3A_65] : memref<32x100x100xi32, #tpu.memory_space<hbm>> -> memref<1x100x100xi32, #tpu.memory_space<hbm>>
      %dma_wait3A_67 = tpu.memref_squeeze %dma_wait3A_66 : memref<1x100x100xi32, #tpu.memory_space<hbm>> -> memref<100x100xi32, #tpu.memory_space<hbm>>
      tpu.wait_dma2 semaphore(%run_scoped3A : memref<!tpu.dma_semaphore, #tpu.memory_space<semaphore_mem>>) src(%dma_wait3A_67 : memref<100x100xi32, #tpu.memory_space<hbm>>) dst(%arg5 : memref<100x100xi32, #tpu.memory_space<vmem>>)
      tpu.yield
    }) : () -> ()
    %broadcast_in_dim3A = arith.constant 1.000000e+00 : f32
    %broadcast_in_dim3A_1 = vector.broadcast %broadcast_in_dim3A : f32 to vector<16xf32>
    %swap3A = arith.constant 0 : index
    %swap3A_2 = tpu.vector_load %arg6[%swap3A] {strides = array<i32>} : memref<112xf32, #tpu.memory_space<vmem>>, vector<16xf32>,
    %swap3A_3 = vector.shape_cast %swap3A_2 : vector<16xf32> to vector<16xf32>
    %swap3A_4 = vector.shape_cast %broadcast_in_dim3A_1 : vector<16xf32> to vector<16xf32>
    tpu.vector_store %arg6[%swap3A], %swap3A_4 {strides = array<i32>} : memref<112xf32, #tpu.memory_space<vmem>>, vector<16xf32>,
    %broadcast_in_dim3A_5 = arith.constant 1.000000e+00 : f32
    %broadcast_in_dim3A_6 = vector.broadcast %broadcast_in_dim3A_5 : f32 to vector<16xf32>
    %swap3A_7 = arith.constant 16 : index
    %swap3A_8 = tpu.vector_load %arg6[%swap3A_7] {strides = array<i32>} : memref<112xf32, #tpu.memory_space<vmem>>, vector<16xf32>,
    %swap3A_9 = vector.shape_cast %swap3A_8 : vector<16xf32> to vector<16xf32>
    %swap3A_10 = vector.shape_cast %broadcast_in_dim3A_6 : vector<16xf32> to vector<16xf32>
    tpu.vector_store %arg6[%swap3A_7], %swap3A_10 {strides = array<i32>} : memref<112xf32, #tpu.memory_space<vmem>>, vector<16xf32>,
    %broadcast_in_dim3A_11 = arith.constant 1.000000e+00 : f32
    %broadcast_in_dim3A_12 = vector.broadcast %broadcast_in_dim3A_11 : f32 to vector<16xf32>
    %swap3A_13 = arith.constant 32 : index
    %swap3A_14 = tpu.vector_load %arg6[%swap3A_13] {strides = array<i32>} : memref<112xf32, #tpu.memory_space<vmem>>, vector<16xf32>,
    %swap3A_15 = vector.shape_cast %swap3A_14 : vector<16xf32> to vector<16xf32>
    %swap3A_16 = vector.shape_cast %broadcast_in_dim3A_12 : vector<16xf32> to vector<16xf32>
    tpu.vector_store %arg6[%swap3A_13], %swap3A_16 {strides = array<i32>} : memref<112xf32, #tpu.memory_space<vmem>>, vector<16xf32>,
    %broadcast_in_dim3A_17 = arith.constant 1.000000e+00 : f32
    %broadcast_in_dim3A_18 = vector.broadcast %broadcast_in_dim3A_17 : f32 to vector<16xf32>
    %swap3A_19 = arith.constant 48 : index
    %swap3A_20 = tpu.vector_load %arg6[%swap3A_19] {strides = array<i32>} : memref<112xf32, #tpu.memory_space<vmem>>, vector<16xf32>,
    %swap3A_21 = vector.shape_cast %swap3A_20 : vector<16xf32> to vector<16xf32>
    %swap3A_22 = vector.shape_cast %broadcast_in_dim3A_18 : vector<16xf32> to vector<16xf32>
    tpu.vector_store %arg6[%swap3A_19], %swap3A_22 {strides = array<i32>} : memref<112xf32, #tpu.memory_space<vmem>>, vector<16xf32>,
    %broadcast_in_dim3A_23 = arith.constant 1.000000e+00 : f32
    %broadcast_in_dim3A_24 = vector.broadcast %broadcast_in_dim3A_23 : f32 to vector<16xf32>
    %swap3A_25 = arith.constant 64 : index
    %swap3A_26 = tpu.vector_load %arg6[%swap3A_25] {strides = array<i32>} : memref<112xf32, #tpu.memory_space<vmem>>, vector<16xf32>,
    %swap3A_27 = vector.shape_cast %swap3A_26 : vector<16xf32> to vector<16xf32>
    %swap3A_28 = vector.shape_cast %broadcast_in_dim3A_24 : vector<16xf32> to vector<16xf32>
    tpu.vector_store %arg6[%swap3A_25], %swap3A_28 {strides = array<i32>} : memref<112xf32, #tpu.memory_space<vmem>>, vector<16xf32>,
    %broadcast_in_dim3A_29 = arith.constant 1.000000e+00 : f32
    %broadcast_in_dim3A_30 = vector.broadcast %broadcast_in_dim3A_29 : f32 to vector<16xf32>
    %swap3A_31 = arith.constant 80 : index
    %swap3A_32 = tpu.vector_load %arg6[%swap3A_31] {strides = array<i32>} : memref<112xf32, #tpu.memory_space<vmem>>, vector<16xf32>,
    %swap3A_33 = vector.shape_cast %swap3A_32 : vector<16xf32> to vector<16xf32>
    %swap3A_34 = vector.shape_cast %broadcast_in_dim3A_30 : vector<16xf32> to vector<16xf32>
    tpu.vector_store %arg6[%swap3A_31], %swap3A_34 {strides = array<i32>} : memref<112xf32, #tpu.memory_space<vmem>>, vector<16xf32>,
    %broadcast_in_dim3A_35 = arith.constant 1.000000e+00 : f32
    %broadcast_in_dim3A_36 = vector.broadcast %broadcast_in_dim3A_35 : f32 to vector<16xf32>
    %swap3A_37 = arith.constant 96 : index
    %swap3A_38 = tpu.vector_load %arg6[%swap3A_37] {strides = array<i32>} : memref<112xf32, #tpu.memory_space<vmem>>, vector<16xf32>,
    %swap3A_39 = vector.shape_cast %swap3A_38 : vector<16xf32> to vector<16xf32>
    %swap3A_40 = vector.shape_cast %broadcast_in_dim3A_36 : vector<16xf32> to vector<16xf32>
    tpu.vector_store %arg6[%swap3A_37], %swap3A_40 {strides = array<i32>} : memref<112xf32, #tpu.memory_space<vmem>>, vector<16xf32>,
    %lt3A = arith.constant 10 : i32
    %lt3A_41 = arith.cmpi slt, %arg1, %lt3A : i32
    %convert_element_type3A = arith.extui %lt3A_41 : i1 to i32
    %cond3A = arith.constant 0 : i32
    %cond3A_42 = arith.cmpi ne, %convert_element_type3A, %cond3A : i32
    scf.if %cond3A_42 {
      %mul3A_54 = arith.constant 1000 : i32
      %mul3A_55 = arith.muli %arg1, %mul3A_54 : i32
      %multiple_of3A = tpu.assume_multiple %mul3A_55, 1000 : i32
      "tpu.region"() ({
        %run_scoped3A = tpu.sem_alloc : memref<!tpu.dma_semaphore, #tpu.memory_space<semaphore_mem>>
        %dma_start3A = tpu.memref_slice %arg7[%multiple_of3A] : memref<10000xf32, #tpu.memory_space<vmem_shared>> -> memref<1000xf32, #tpu.memory_space<vmem_shared>>
        tpu.enqueue_dma source(%arg3 : memref<1000xf32, #tpu.memory_space<hbm>>) target(%dma_start3A : memref<1000xf32, #tpu.memory_space<vmem_shared>>) target_semaphore(%run_scoped3A : memref<!tpu.dma_semaphore, #tpu.memory_space<semaphore_mem>>)
        %dma_wait3A = tpu.memref_slice %arg7[%multiple_of3A] : memref<10000xf32, #tpu.memory_space<vmem_shared>> -> memref<1000xf32, #tpu.memory_space<vmem_shared>>
        tpu.wait_dma2 semaphore(%run_scoped3A : memref<!tpu.dma_semaphore, #tpu.memory_space<semaphore_mem>>) src(%arg3 : memref<1000xf32, #tpu.memory_space<hbm>>) dst(%dma_wait3A : memref<1000xf32, #tpu.memory_space<vmem_shared>>)
        tpu.yield
      }) : () -> ()
    } else {
    }
    %barrier3A = arith.constant 0 : index
    tpu.barrier barrier_id(%barrier3A)
    %scan3A = arith.constant 0 : i32
    %scan3A_43 = arith.constant 0 : i32
    %scan3A_44 = arith.constant 100 : i32
    %scan3A_45 = arith.addi %scan3A_43, %scan3A_44 : i32
    %scan3A_46 = arith.constant 1 : i32
    scf.for %scan3A_54 = %scan3A_43 to %scan3A_45 step %scan3A_46  : i32 {
      "tpu.region"() ({
        %run_scoped3A = tpu.sem_alloc : memref<!tpu.dma_semaphore, #tpu.memory_space<semaphore_mem>>
        %dma_start3A = arith.constant 0 : i32
        %dma_start3A_55 = tpu.memref_slice %arg6[%dma_start3A] : memref<112xf32, #tpu.memory_space<vmem>> -> memref<100xf32, #tpu.memory_space<vmem>>
        %dma_start3A_56 = arith.constant 0 : i32
        %dma_start3A_57 = tpu.memref_slice %arg5[%scan3A_54, %dma_start3A_56] : memref<100x100xi32, #tpu.memory_space<vmem>> -> memref<1x100xi32, #tpu.memory_space<vmem>>
        %dma_start3A_58 = tpu.memref_squeeze %dma_start3A_57 : memref<1x100xi32, #tpu.memory_space<vmem>> -> memref<100xi32, #tpu.memory_space<vmem>>
        %dma_start3A_59 = arith.constant 0 : i32
        %dma_start3A_60 = tpu.memref_slice %arg7[%dma_start3A_59] : memref<10000xf32, #tpu.memory_space<vmem_shared>> -> memref<10000xf32, #tpu.memory_space<vmem_shared>>
        tpu.enqueue_indirect_dma source(%dma_start3A_55 : memref<100xf32, #tpu.memory_space<vmem>>) target(%dma_start3A_60 : memref<10000xf32, #tpu.memory_space<vmem_shared>>) offsets(%dma_start3A_58 : memref<100xi32, #tpu.memory_space<vmem>>) semaphore(%run_scoped3A : memref<!tpu.dma_semaphore, #tpu.memory_space<semaphore_mem>>) {add = true}
        %dma_wait3A = arith.constant 0 : i32
        %dma_wait3A_61 = tpu.memref_slice %arg6[%dma_wait3A] : memref<112xf32, #tpu.memory_space<vmem>> -> memref<100xf32, #tpu.memory_space<vmem>>
        %dma_wait3A_62 = arith.constant 0 : i32
        %dma_wait3A_63 = tpu.memref_slice %arg5[%scan3A_54, %dma_wait3A_62] : memref<100x100xi32, #tpu.memory_space<vmem>> -> memref<1x100xi32, #tpu.memory_space<vmem>>
        %dma_wait3A_64 = tpu.memref_squeeze %dma_wait3A_63 : memref<1x100xi32, #tpu.memory_space<vmem>> -> memref<100xi32, #tpu.memory_space<vmem>>
        %dma_wait3A_65 = arith.constant 0 : i32
        %dma_wait3A_66 = tpu.memref_slice %arg7[%dma_wait3A_65] : memref<10000xf32, #tpu.memory_space<vmem_shared>> -> memref<10000xf32, #tpu.memory_space<vmem_shared>>
        tpu.wait_indirect_dma semaphore(%run_scoped3A : memref<!tpu.dma_semaphore, #tpu.memory_space<semaphore_mem>>) src(%dma_wait3A_61 : memref<100xf32, #tpu.memory_space<vmem>>) dst(%dma_wait3A_66 : memref<10000xf32, #tpu.memory_space<vmem_shared>>)
        tpu.yield
      }) : () -> ()
    }
    %scan3A_47 = arith.constant 100 : i32
    %barrier3A_48 = arith.constant 0 : index
    tpu.barrier barrier_id(%barrier3A_48)
    %lt3A_49 = arith.constant 10 : i32
    %lt3A_50 = arith.cmpi slt, %arg1, %lt3A_49 : i32
    %convert_element_type3A_51 = arith.extui %lt3A_50 : i1 to i32
    %cond3A_52 = arith.constant 0 : i32
    %cond3A_53 = arith.cmpi ne, %convert_element_type3A_51, %cond3A_52 : i32
    scf.if %cond3A_53 {
      %mul3A_54 = arith.constant 1000 : i32
      %mul3A_55 = arith.muli %arg1, %mul3A_54 : i32
      %multiple_of3A = tpu.assume_multiple %mul3A_55, 1000 : i32
      %mul3A_56 = arith.constant 10000 : i32
      %mul3A_57 = arith.muli %arg0, %mul3A_56 : i32
      %mul3A_58 = arith.constant 1000 : i32
      %mul3A_59 = arith.muli %arg1, %mul3A_58 : i32
      %add3A_60 = arith.addi %mul3A_57, %mul3A_59 : i32
      %multiple_of3A_61 = tpu.assume_multiple %add3A_60, 1000 : i32
      "tpu.region"() ({
        %run_scoped3A = tpu.sem_alloc : memref<!tpu.dma_semaphore, #tpu.memory_space<semaphore_mem>>
        %dma_start3A = tpu.memref_slice %arg4[%multiple_of3A_61] : memref<20000xf32, #tpu.memory_space<hbm>> -> memref<1000xf32, #tpu.memory_space<hbm>>
        %dma_start3A_62 = tpu.memref_slice %arg7[%multiple_of3A] : memref<10000xf32, #tpu.memory_space<vmem_shared>> -> memref<1000xf32, #tpu.memory_space<vmem_shared>>
        tpu.enqueue_dma source(%dma_start3A_62 : memref<1000xf32, #tpu.memory_space<vmem_shared>>) target(%dma_start3A : memref<1000xf32, #tpu.memory_space<hbm>>) target_semaphore(%run_scoped3A : memref<!tpu.dma_semaphore, #tpu.memory_space<semaphore_mem>>)
        %dma_wait3A = tpu.memref_slice %arg4[%multiple_of3A_61] : memref<20000xf32, #tpu.memory_space<hbm>> -> memref<1000xf32, #tpu.memory_space<hbm>>
        %dma_wait3A_63 = tpu.memref_slice %arg7[%multiple_of3A] : memref<10000xf32, #tpu.memory_space<vmem_shared>> -> memref<1000xf32, #tpu.memory_space<vmem_shared>>
        tpu.wait_dma2 semaphore(%run_scoped3A : memref<!tpu.dma_semaphore, #tpu.memory_space<semaphore_mem>>) src(%dma_wait3A_63 : memref<1000xf32, #tpu.memory_space<vmem_shared>>) dst(%dma_wait3A : memref<1000xf32, #tpu.memory_space<hbm>>)
        tpu.yield
      }) : () -> ()
    } else {
    }
    return
  }
}

module attributes {stable_mosaic.version = 14 : i64} {
  func.func @_lin_body(%arg0: i32, %arg1: memref<1000x128xf32, #tpu.memory_space<vmem>>, %arg2: memref<128x128xf32, #tpu.memory_space<vmem>>, %arg3: memref<1000x2xf32, #tpu.memory_space<vmem>>, %arg4: memref<1000x128xf32, #tpu.memory_space<vmem>>, %arg5: memref<1000x1xf32, #tpu.memory_space<vmem>>) attributes {dimension_semantics = [#tpu.dimension_semantics<arbitrary>], iteration_bounds = array<i64: 10>, scalar_prefetch = 0 : i64, scratch_operands = 0 : i64, tpu.core_type = #tpu.core_type<tc>, window_params = [{transform_indices = @transform_0, window_bounds = array<i64: 1000, 128>}, {pipeline_mode = #tpu.pipeline_mode<synchronous>, transform_indices = @transform_1, window_bounds = array<i64: 128, 128>}, {transform_indices = @transform_2, window_bounds = array<i64: 1000, 2>}, {transform_indices = @transform_3, window_bounds = array<i64: 1000, 128>}, {transform_indices = @transform_4, window_bounds = array<i64: 1000, 1>}]} {
    %get3A = arith.constant 0 : index
    %get3A_0 = arith.constant 0 : index
    %get3A_1 = vector.load %arg3[%get3A, %get3A_0] : memref<1000x2xf32, #tpu.memory_space<vmem>>, vector<1000x1xf32>
    %get3A_2 = vector.shape_cast %get3A_1 : vector<1000x1xf32> to vector<1000xf32>
    %get3A_3 = arith.constant 0 : index
    %get3A_4 = arith.constant 1 : index
    %get3A_5 = vector.load %arg3[%get3A_3, %get3A_4] : memref<1000x2xf32, #tpu.memory_space<vmem>>, vector<1000x1xf32>
    %get3A_6 = vector.shape_cast %get3A_5 : vector<1000x1xf32> to vector<1000xf32>
    %add3A = arith.addf %get3A_2, %get3A_6 : vector<1000xf32>
    %gt3A = arith.constant 0.000000e+00 : f32
    %gt3A_7 = vector.broadcast %gt3A : f32 to vector<1000xf32>
    %gt3A_8 = arith.cmpf ogt, %add3A, %gt3A_7 : vector<1000xf32>
    %max3A = arith.constant 9.99999996E-13 : f32
    %max3A_9 = vector.broadcast %max3A : f32 to vector<1000xf32>
    %max3A_10 = arith.maximumf %add3A, %max3A_9 : vector<1000xf32>
    %rsqrt3A = math.rsqrt %max3A_10 : vector<1000xf32>
    %jit3A = arith.constant 0.000000e+00 : f32
    %broadcast_in_dim3A = vector.broadcast %jit3A : f32 to vector<1000xf32>
    %select_n3A = arith.select %gt3A_8, %rsqrt3A, %broadcast_in_dim3A : vector<1000xi1>, vector<1000xf32>
    %get3A_11 = arith.constant 0 : index
    %get3A_12 = arith.constant 0 : index
    %get3A_13 = vector.load %arg1[%get3A_11, %get3A_12] : memref<1000x128xf32, #tpu.memory_space<vmem>>, vector<1000x128xf32>
    %get3A_14 = arith.constant 0 : index
    %get3A_15 = arith.constant 0 : index
    %get3A_16 = vector.load %arg2[%get3A_14, %get3A_15] : memref<128x128xf32, #tpu.memory_space<vmem>>, vector<128x128xf32>
    %dot_general3A = arith.constant dense<0.000000e+00> : vector<1000x128xf32>
    %dot_general3A_17 = tpu.matmul %get3A_13, %get3A_16, %dot_general3A {dimension_numbers = #tpu.dot_dimension_numbers<[1], [1], [0], [0], [0, 0, 1, 0], [], []>, transpose_lhs_hint = false} : vector<1000x128xf32>, vector<128x128xf32>, vector<1000x128xf32> -> vector<1000x128xf32>
    %broadcast_in_dim3A_18 = vector.shape_cast %select_n3A : vector<1000xf32> to vector<1000x1xf32>
    %mul3A = vector.broadcast %broadcast_in_dim3A_18 : vector<1000x1xf32> to vector<1000x128xf32>
    %mul3A_19 = arith.mulf %dot_general3A_17, %mul3A : vector<1000x128xf32>
    %swap3A = arith.constant 0 : index
    %swap3A_20 = arith.constant 0 : index
    %swap3A_21 = vector.load %arg4[%swap3A, %swap3A_20] : memref<1000x128xf32, #tpu.memory_space<vmem>>, vector<1000x128xf32>
    tpu.vector_store %arg4[%swap3A, %swap3A_20], %mul3A_19 {strides = array<i32>} : memref<1000x128xf32, #tpu.memory_space<vmem>>, vector<1000x128xf32>,
    %broadcast_in_dim3A_22 = vector.shape_cast %select_n3A : vector<1000xf32> to vector<1000x1xf32>
    %swap3A_23 = arith.constant 0 : index
    %swap3A_24 = arith.constant 0 : index
    %swap3A_25 = vector.load %arg5[%swap3A_23, %swap3A_24] : memref<1000x1xf32, #tpu.memory_space<vmem>>, vector<1000x1xf32>
    tpu.vector_store %arg5[%swap3A_23, %swap3A_24], %broadcast_in_dim3A_22 {strides = array<i32>} : memref<1000x1xf32, #tpu.memory_space<vmem>>, vector<1000x1xf32>,
    return
  }
  func.func @transform_0(%arg0: i32) -> (i32, i32) {
    %c0_i32 = arith.constant 0 : i32
    %c0_i32_0 = arith.constant 0 : i32
    return %arg0, %c0_i32 : i32, i32
  }
  func.func @transform_1(%arg0: i32) -> (i32, i32) {
    %c0_i32 = arith.constant 0 : i32
    %c0_i32_0 = arith.constant 0 : i32
    %c0_i32_1 = arith.constant 0 : i32
    return %c0_i32, %c0_i32_0 : i32, i32
  }
  func.func @transform_2(%arg0: i32) -> (i32, i32) {
    %c0_i32 = arith.constant 0 : i32
    %c0_i32_0 = arith.constant 0 : i32
    return %arg0, %c0_i32 : i32, i32
  }
  func.func @transform_3(%arg0: i32) -> (i32, i32) {
    %c0_i32 = arith.constant 0 : i32
    %c0_i32_0 = arith.constant 0 : i32
    return %arg0, %c0_i32 : i32, i32
  }
  func.func @transform_4(%arg0: i32) -> (i32, i32) {
    %c0_i32 = arith.constant 0 : i32
    %c0_i32_0 = arith.constant 0 : i32
    return %arg0, %c0_i32 : i32, i32
  }
}

module attributes {stable_mosaic.version = 14 : i64} {
  func.func @_fin_body(%arg0: i32, %arg1: memref<2x1000x128xf32, #tpu.memory_space<vmem>>, %arg2: memref<1000x1xf32, #tpu.memory_space<vmem>>, %arg3: memref<1x128xf32, #tpu.memory_space<vmem>>, %arg4: memref<1000x128xf32, #tpu.memory_space<vmem>>) attributes {dimension_semantics = [#tpu.dimension_semantics<arbitrary>], iteration_bounds = array<i64: 10>, scalar_prefetch = 0 : i64, scratch_operands = 0 : i64, tpu.core_type = #tpu.core_type<tc>, window_params = [{transform_indices = @transform_0, window_bounds = array<i64: 2, 1000, 128>}, {transform_indices = @transform_1, window_bounds = array<i64: 1000, 1>}, {pipeline_mode = #tpu.pipeline_mode<synchronous>, transform_indices = @transform_2, window_bounds = array<i64: 1, 128>}, {transform_indices = @transform_3, window_bounds = array<i64: 1000, 128>}]} {
    %get3A = arith.constant 0 : index
    %get3A_0 = arith.constant 0 : index
    %get3A_1 = arith.constant 0 : index
    %get3A_2 = vector.load %arg1[%get3A, %get3A_0, %get3A_1] : memref<2x1000x128xf32, #tpu.memory_space<vmem>>, vector<1x1000x128xf32>
    %get3A_3 = vector.shape_cast %get3A_2 : vector<1x1000x128xf32> to vector<1000x128xf32>
    %get3A_4 = arith.constant 1 : index
    %get3A_5 = arith.constant 0 : index
    %get3A_6 = arith.constant 0 : index
    %get3A_7 = vector.load %arg1[%get3A_4, %get3A_5, %get3A_6] : memref<2x1000x128xf32, #tpu.memory_space<vmem>>, vector<1x1000x128xf32>
    %get3A_8 = vector.shape_cast %get3A_7 : vector<1x1000x128xf32> to vector<1000x128xf32>
    %add3A = arith.addf %get3A_3, %get3A_8 : vector<1000x128xf32>
    %get3A_9 = arith.constant 0 : index
    %get3A_10 = arith.constant 0 : index
    %get3A_11 = vector.load %arg2[%get3A_9, %get3A_10] : memref<1000x1xf32, #tpu.memory_space<vmem>>, vector<1000x1xf32>
    %mul3A = vector.broadcast %get3A_11 : vector<1000x1xf32> to vector<1000x128xf32>
    %mul3A_12 = arith.mulf %add3A, %mul3A : vector<1000x128xf32>
    %get3A_13 = arith.constant 0 : index
    %get3A_14 = arith.constant 0 : index
    %get3A_15 = vector.load %arg3[%get3A_13, %get3A_14] : memref<1x128xf32, #tpu.memory_space<vmem>>, vector<1x128xf32>
    %add3A_16 = vector.broadcast %get3A_15 : vector<1x128xf32> to vector<1000x128xf32>
    %add3A_17 = arith.addf %mul3A_12, %add3A_16 : vector<1000x128xf32>
    %max3A = arith.constant 0.000000e+00 : f32
    %max3A_18 = vector.broadcast %max3A : f32 to vector<1000x128xf32>
    %max3A_19 = arith.maximumf %add3A_17, %max3A_18 : vector<1000x128xf32>
    %swap3A = arith.constant 0 : index
    %swap3A_20 = arith.constant 0 : index
    %swap3A_21 = vector.load %arg4[%swap3A, %swap3A_20] : memref<1000x128xf32, #tpu.memory_space<vmem>>, vector<1000x128xf32>
    tpu.vector_store %arg4[%swap3A, %swap3A_20], %max3A_19 {strides = array<i32>} : memref<1000x128xf32, #tpu.memory_space<vmem>>, vector<1000x128xf32>,
    return
  }
  func.func @transform_0(%arg0: i32) -> (i32, i32, i32) {
    %c0_i32 = arith.constant 0 : i32
    %c0_i32_0 = arith.constant 0 : i32
    %c0_i32_1 = arith.constant 0 : i32
    return %c0_i32, %arg0, %c0_i32_0 : i32, i32, i32
  }
  func.func @transform_1(%arg0: i32) -> (i32, i32) {
    %c0_i32 = arith.constant 0 : i32
    %c0_i32_0 = arith.constant 0 : i32
    return %arg0, %c0_i32 : i32, i32
  }
  func.func @transform_2(%arg0: i32) -> (i32, i32) {
    %c0_i32 = arith.constant 0 : i32
    %c0_i32_0 = arith.constant 0 : i32
    %c0_i32_1 = arith.constant 0 : i32
    return %c0_i32, %c0_i32_0 : i32, i32
  }
  func.func @transform_3(%arg0: i32) -> (i32, i32) {
    %c0_i32 = arith.constant 0 : i32
    %c0_i32_0 = arith.constant 0 : i32
    return %arg0, %c0_i32 : i32, i32
  }
}

</mosaic_0001>

<sc_bundles>
// kernel: kernel.6.cloned.1.call-start
scs
__scs_entry_jumppad:
0x0: {  	(pc) =	sbr.rel $0x88, $3  }
0x1: {  	(tag) =	ssettag $0x0;
	lr =	simm.s32 $0x1  }
0x2: {  	[smem:$0x3F9D] =	sst lr;
	_ =	strace $0xD0000000  }
0x3: {  	_ = 	snop  }
0x4: {  	_ = 	snop  }
0x5: {  	_ = 	snop  }
0x6: {  	_ = 	snop  }
0x7: {  	_ = 	snop  }
__scs_overlays_trampoline_lowered:
0x8: {  	[smem:$0x3FAC] =	sst s0  }
0x9: {  	[smem:$0x3FAD] =	sst s1  }
0xa: {  	[smem:$0x3FAE] =	sst s2  }
0xb: {  	[smem:$0x3FAF] =	sst s3  }
0xc: {  	[smem:$0x3FB0] =	sst s4  }
0xd: {  	[smem:$0x3FB1] =	sst s5  }
0xe: {  	[smem:$0x3FB2] =	sst s6  }
0xf: {  	[smem:$0x3FB3] =	sst s7  }
0x10: {  	[smem:$0x3FB4] =	sst s8  }
0x11: {  	[smem:$0x3FB5] =	sst s9;
	s0 =	simm.s32 @!p0 $0x0  }
0x12: {  	s1 =	sld [smem:$0x3F9B];
	s0 =	simm.s32 @p0 $0x1  }
0x13: {  	[smem:$0x3FB6] =	sst s0;
	s0 =	simm.s32 @!p1 $0x0  }
0x14: {  	s2 =	sld [smem:$0x3F9A];
	s0 =	simm.s32 @p1 $0x1  }
0x15: {  	[smem:$0x3FB7] =	sst s0;
	s0 =	simm.s32 @!p2 $0x0  }
0x16: {  	s3 =	sld [smem:$0x3FDB];
	s0 =	simm.s32 @p2 $0x1  }
0x17: {  	s4 =	simm.s32 $0x1BF5;
	[smem:$0x3FB9] =	sst s0  }
0x18: {  	s0 =	sld [smem:$0x3F9C];
	_ =	swait.ge [sflag:s4], $0x0  }
0x19: {  	s7 =	sld [smem:$0x3F9D]  }
0x1a: {  	s8 =	sadd.s32 $0xFFFFE003, lr  }
0x1b: {  	s9 =	sadd.s32 $0xFFFFFEF7, lr;
	s5 =	simm.s32 $0xFFFFFFFF;
	p2 =	slt.u32 s8, $0xFFFFF086  }
0x1c: {  	p1 =	slt.u32 s9, $0xF7A;
	s5 =	simm.s32 @!p2 $0x0  }
0x1d: {  	s5 =	simm.s32 @p1 $0x1;
	p0 =	seq.s32 s7, s2  }
0x1e: {  	s7 =	smul.u32 @!p0 $0xF7A, s2;
	p2 =	seq.s32 @!p0 s5, $0x0  }
0x1f: {  	s9 =	smul.u32 $0xF7A, s1;
	s8 =	simm.s32 @!p0 $0x1BF5;
	p2 =	por !p2, p0  }
0x20: {  	[sflag:s8] =	ssyncset.s32 @!p0 $0xFFFFF086;
	s6 =	sadd.s32 @!p0 s3, s7;
	s7 =	simm.s32 @!p0 $0x108  }
0x21: {  	s3 =	sadd.s32 s3, s9;
	s6 =	sadd.s32 @!p0 $0x88, s6;
	s7 =	simm.s32 @p2 $0x1082  }
0x22: {  	[simem:s7], [sflag:s8] =	dma.local @!p0 [hbm:s6], $0xF7A  }
0x23: {  	s9 =	sor.u32 $0xD0000000, s2;
	s6 =	simm.s32 $0x108;
	_ =	swait.ge @!p0 [sflag:s8], $0x0  }
0x24: {  	s3 =	sadd.s32 $0x88, s3;
	s6 =	simm.s32 @!p1 $0x1082;
	[sflag:s4] =	ssyncset.s32 $0xFFFFF086  }
0x25: {  	[simem:s6], [sflag:s4] =	dma.local [hbm:s3], $0xF7A  }
0x26: {  	[smem:$0x3F9D] =	sst s1;
	(tag) =	ssettag s2;
	_ =	strace s9  }
0x27: {  	s1 =	sld [smem:$0x3FAD]  }
0x28: {  	s2 =	sld [smem:$0x3FAE]  }
0x29: {  	s4 =	sld [smem:$0x3FB0]  }
0x2a: {  	p0 =	seq.s32 s5, $0x0;
	s5 =	sld [smem:$0x3FB1]  }
0x2b: {  	s6 =	sld [smem:$0x3FB2]  }
0x2c: {  	s7 =	sld [smem:$0x3FB3]  }
0x2d: {  	s3 =	simm.s32 $0x108;
	s8 =	sld [smem:$0x3FB4]  }
0x2e: {  	s3 =	simm.s32 @!p0 $0x1082;
	s9 =	sld [smem:$0x3FB5]  }
0x2f: {  	lr =	sadd.s32 s0, s3;
	s0 =	sld [smem:$0x3FAC]  }
0x30: {  	s3 =	sld [smem:$0x3FAF]  }
0x31: {  	[smem:$0x3FB8] =	sst s10  }
0x32: {  	s10 =	sld [smem:$0x3FB6];
	_ =	sdelay $0x3  }
0x33: {  	p0 =	seq.s32 s10, $0x1;
	s10 =	sld [smem:$0x3FB8];
	_ =	sdelay $0x3  }
0x34: {  	[smem:$0x3FB8] =	sst s10  }
0x35: {  	s10 =	sld [smem:$0x3FB7];
	_ =	sdelay $0x3  }
0x36: {  	p1 =	seq.s32 s10, $0x1;
	s10 =	sld [smem:$0x3FB8];
	_ =	sdelay $0x3  }
0x37: {  	[smem:$0x3FB8] =	sst s10  }
0x38: {  	s10 =	sld [smem:$0x3FB9]  }
0x39: {  	_ = 	snop;
	(pc) =	sbr.ind lr, $3  }
0x3a: {  	_ = 	snop  }
0x3b: {  	_ = 	snop  }
0x3c: {  	p2 =	seq.s32 s10, $0x1;
	s10 =	sld [smem:$0x3FB8]  }
0x3d: {  	_ =	shalt  }
0x3e: {  	_ =	shalt  }
0x3f: {  	_ =	shalt  }
0x40: {  	_ =	shalt  }
0x41: {  	_ =	shalt  }
0x42: {  	_ =	shalt  }
0x43: {  	_ =	shalt  }
0x44: {  	_ =	shalt  }
0x45: {  	_ =	shalt  }
0x46: {  	_ =	shalt  }
0x47: {  	_ =	shalt  }
0x48: {  	_ =	shalt  }
0x49: {  	_ =	shalt  }
0x4a: {  	_ =	shalt  }
0x4b: {  	_ =	shalt  }
0x4c: {  	_ =	shalt  }
0x4d: {  	_ =	shalt  }
0x4e: {  	_ =	shalt  }
0x4f: {  	_ =	shalt  }
0x50: {  	_ =	shalt  }
0x51: {  	_ =	shalt  }
0x52: {  	_ =	shalt  }
0x53: {  	_ =	shalt  }
0x54: {  	_ =	shalt  }
0x55: {  	_ =	shalt  }
0x56: {  	_ =	shalt  }
0x57: {  	_ =	shalt  }
0x58: {  	_ =	shalt  }
0x59: {  	_ =	shalt  }
0x5a: {  	_ =	shalt  }
0x5b: {  	_ =	shalt  }
0x5c: {  	_ =	shalt  }
0x5d: {  	_ =	shalt  }
0x5e: {  	_ =	shalt  }
0x5f: {  	_ =	shalt  }
0x60: {  	_ =	shalt  }
0x61: {  	_ =	shalt  }
0x62: {  	_ =	shalt  }
0x63: {  	_ =	shalt  }
0x64: {  	_ =	shalt  }
0x65: {  	_ =	shalt  }
0x66: {  	_ =	shalt  }
0x67: {  	_ =	shalt  }
0x68: {  	_ =	shalt  }
0x69: {  	_ =	shalt  }
0x6a: {  	_ =	shalt  }
0x6b: {  	_ =	shalt  }
0x6c: {  	_ =	shalt  }
0x6d: {  	_ =	shalt  }
0x6e: {  	_ =	shalt  }
0x6f: {  	_ =	shalt  }
0x70: {  	_ =	shalt  }
0x71: {  	_ =	shalt  }
0x72: {  	_ =	shalt  }
0x73: {  	_ =	shalt  }
0x74: {  	_ =	shalt  }
0x75: {  	_ =	shalt  }
0x76: {  	_ =	shalt  }
0x77: {  	_ =	shalt  }
0x78: {  	_ =	shalt  }
0x79: {  	_ =	shalt  }
0x7a: {  	_ =	shalt  }
0x7b: {  	_ =	shalt  }
0x7c: {  	_ =	shalt  }
0x7d: {  	_ =	shalt  }
0x7e: {  	_ =	shalt  }
0x7f: {  	_ =	shalt  }
0x80: {  	_ =	shalt  }
0x81: {  	_ =	shalt  }
0x82: {  	_ =	shalt  }
0x83: {  	_ =	shalt  }
0x84: {  	_ =	shalt  }
0x85: {  	_ =	shalt  }
0x86: {  	_ =	shalt  }
0x87: {  	_ =	shalt  }
.Lfunc_end0:
.L_simem_size_0:
called_computation_lowered:
.L_overlay_start_0:
0x88: {  	s2 =	sld [smem:$0x3FD9]  }
0x89: {  	s3 =	sld [smem:$0x3FFE];
	_ =	sdelay $0x1  }
0x8a: {  	s1 =	srdreg.scid  }
0x8b: {  	s0 =	sand.u32 $0x1, s1  }
0x8c: {  	s17 =	sshll.u32 s0, $0xA;
	s2 =	sadd.s32 s3, s2  }
0x8d: {  	s2 =	sadd.s32 s2, s17  }
0x8e: {  	[smem:$0x3FC4] =	sst s2  }
0x8f: {  	_ = 	snop  }
0x90: {  	s2 =	sld [smem:$0x3FD0];
	(tm) =	ssettm $0x1  }
0x91: {  	s18 =	sld [smem:$0x3FFB];
	_ =	sdelay $0x3  }
0x92: {  	_ =	strace s18  }
0x93: {  	s3 =	sld [smem:$0x3FFC];
	_ =	sdelay $0x3  }
0x94: {  	_ =	strace s3  }
0x95: {  	s3 =	sld [smem:$0x3FFD];
	_ =	sdelay $0x3  }
0x96: {  	_ =	strace s3  }
0x97: {  	_ =	strace $0x8FFFFFFF  }
0x98: {  	s19 =	sld [smem:$0x3FDB];
	_ =	sdelay $0x1  }
0x99: {  	s4 =	simm.s32 $_scs_section_size  }
0x9a: {  	s5 =	simm.s32 $_size__tile_overlayer_lowered;
	s6 =	simm.s32 $_tile_overlayer_lowered  }
0x9b: {  	s22 =	simm.s32 $0x1BFF;
	s21 =	sshll.u32 s6, $0x1;
	s3 =	sadd.s32 s4, s19  }
0x9c: {  	s7 =	simm.s32 $0x0;
	s20 =	sshll.u32 s5, $0x1;
	s5 =	sadd.s32 s21, s3  }
0x9d: {  	[timem:s7], [sflag:s22] =	dma.local [hbm:s5], s20  }
0x9e: {  	_ =	swait.ge [sflag:s22], s20  }
0x9f: {  	s4 =	ssub.s32 $0x0, s20;
	[sflag:s22] =	ssyncset.done $0x0  }
0xa0: {  	[sflag:s22] =	ssyncadd.s32 s4;
	_ =	sdelay $0x1  }
0xa1: {  	s23 =	simm.s32 $0x1B8B  }
0xa2: {  	_ =	swait.ge [sflag:s23], $0x1  }
0xa3: {  	[sflag:s23] =	ssyncset.done $0x0  }
0xa4: {  	s25 =	simm.s32 $0x1B8E;
	s24 =	sld [smem:$0x3FFE];
	[sflag:s23] =	ssyncadd.s32 $0xFFFFFFFF  }
0xa5: {  	s26 =	simm.s32 $execute0_lowered;
	[smem:$0x3FD2] =	sst s25  }
0xa6: {  	s5 =	sshll.u32 s26, $0x1;
	_ =	strace $0x80000046;
	[dreg:$0x1] =	wrdreg $0xFFFFFFFF  }
0xa7: {  	s28 =	simm.s32 $_size_execute0_lowered;
	s3 =	sadd.s32 s3, s5;
	[dreg:$0x0] =	wrdreg $0x0  }
0xa8: {  	s5 =	sshll.u32 s28, $0x1;
	[dreg:$0x2] =	wrdreg s3  }
0xa9: {  	[dreg:$0x3] =	wrdreg s5  }
0xaa: {  	[dreg:$0x4] =	wrdreg $0xC0  }
0xab: {  	_ =	task [dreg:s7], $0x5FFFF  }
0xac: {  	[dreg:$0x1] =	wrdreg $0xFFFFFFFF  }
0xad: {  	[dreg:$0x0] =	wrdreg $0x60  }
0xae: {  	[dreg:$0x2] =	wrdreg s24  }
0xaf: {  	[dreg:$0x3] =	wrdreg s2  }
0xb0: {  	[dreg:$0x4] =	wrdreg $0x29100  }
0xb1: {  	[dreg:$0x5] =	wrdreg $0x9  }
0xb2: {  	_ =	task.clear_ibuf [dreg:s7], $0x6FFFF;
	_ =	strace $0x90000046  }
0xb3: {  	s29 =	simm.s32 $0x9;
	_ =	strace $0x80000048  }
0xb4: {  	_ =	swait.ge [sflag:s29], $0x1  }
0xb5: {  	[sflag:s29] =	ssyncadd.s32 $0xFFFFFFFF  }
0xb6: {  	_ =	strace $0x90000048  }
0xb7: {  	_ =	sfence  }
0xb8: {  	s30 =	sld [smem:$0x0];
	_ =	sdelay $0x2  }
0xb9: {  	s31 =	sshll.u32 s1, $0xD;
	s1 =	sshrl.u32 s1, $0x2  }
0xba: {  	s3 =	sand.u32 $0x4000, s31;
	s1 =	sadd.s32 s1, s30  }
0xbb: {  	s0 =	sor.u32 s3, s0;
	s1 =	sshll.u32 s1, $0x11  }
0xbc: {  	s0 =	sor.u32 s1, s0  }
0xbd: {  	s0 =	sadd.s32 $0x8F2B, s0  }
0xbe: {  	[sflag:s0] =	ssyncadd.remote.s32 $0x1  }
0xbf: {  	_ =	sfence.sel $0xFFFF  }
0xc0: {  	[dreg:$0x0] =	wrdreg $0xFFFFFFFF;
	(pc) =	sbr.abs _section_cstart, $3  }
0xc1: {  	[dreg:$0x1] =	wrdreg $0xFFFFFFFF  }
0xc2: {  	_ =	task.clear_ibuf [dreg:s7], $0x2FFFF;
	_ =	strace $0x9FFFFFFF  }
0xc3: {  	(tm) =	ssettm $0x7FFFFFFF  }
tec
execute0_lowered:
.L_overlay_start_1:
0x0: {  	(tag) =	ssettag $0x1  }
0x1: {  	s0 =	srdreg.scid;
	s5 =	rddreg [dreg:$0x0]  }
0x2: {  	s6 =	rddreg [dreg:$0x1];
	s4 =	sand.u32 $0x1, s0;
	s0 =	stileid.u32  }
0x3: {  	s2 =	rddreg [dreg:$0x2];
	s3 =	simm.s32 $0x0;
	s8 =	smul.u32 $0xFA0, s0  }
0x4: {  	s14 =	simm.s32 $0x0;
	[smem:$0x7FF] =	sst s3;
	s9 =	smul.u32 $0x3E8, s0  }
0x5: {  	s1 =	sshll.u32 s4, $0x4;
	s10 =	ssub.s32 $0x2, s4;
	s11 =	smul.u32 $0x2710, s4  }
0x6: {  	s4 =	sadd.s32 $0xB600, s5;
	p0 =	sgt.u32 s0, $0x9;
	s1 =	sor.u32 s0, s1  }
0x7: {  	s30 =	sshrl.u32 s10, $0x1;
	s7 =	smul.u32 $0x514, s1;
	s1 =	rddreg [dreg:$0x3]  }
0x8: {  	_ =	strace $0x80000047;
	s10 =	ssub.s32 s10, s30;
	s8 =	sshrl.u32 s8, $0x2  }
0x9: {  	s11 =	sadd.s32 s9, s11;
	s13 =	sadd.s32 s9, s2;
	s9 =	sshll.u32 @!p0 s0, $0x6  }
0xa: {  	s12 =	sadd.s32 s8, s2;
	s31 =	sshrl.u32 s11, $0x3;
	s8 =	simm.s32 $0x1  }
0xb: {  	s9 =	sor.u32 @!p0 $0x1C01, s9;
	s11 =	simm.s32 $0x64;
	s7 =	sadd.s32 s7, s5  }
0xc: {  	s13 =	sshrl.u32 @!p0 s13, $0x3;
	s6 =	sadd.s32 s6, s31;
	s5 =	sadd.s32 $0x1200, s7  }
0xd: {  	v0 =	vimm.f32 $1.000000000e+00;
	s7 =	smax.u32 s10, $0x1;
	s10 =	sshrl.u32 @!p0 s12, $0x3;
	s12 =	simm.s32 $0x28A0  }
.LBB2_1:
0xe: {  	[tilespmem:s3], [sflag:$0x1] =	stream.linear.gather [hbm4b:s5+s3], $0x28A0, $0x38;
	[tilespmem:$0x2B88] =	vst v63  }
0xf: {  	_ =	swait.ge [sflag:s8], $0x28A0  }
0x10: {  	[sflag:s8] =	ssyncset.done $0x0  }
0x11: {  	[sflag:s8] =	ssyncadd.s32 $0xFFFFD760  }
0x12: {  	[tilespmem:$0x28A0] =	vst v0  }
0x13: {  	[tilespmem:$0x28B0] =	vst v0  }
0x14: {  	[tilespmem:$0x28C0] =	vst v0  }
0x15: {  	[tilespmem:$0x28D0] =	vst v0  }
0x16: {  	[tilespmem:$0x28E0] =	vst v0  }
0x17: {  	[tilespmem:$0x28F0] =	vst v0  }
0x18: {  	s15 =	simm.s32 @!p0 $0x1;
	[tilespmem:$0x2900] =	vst v0  }
0x19: {  	[spmem:s10], [sflag:s9] =	dma.local @!p0 [hbm:s4], $0x7D  }
0x1a: {  	_ =	swait.ge @!p0 [sflag:s15], $0x7D  }
0x1b: {  	[sflag:s15] =	ssyncset.done @!p0 $0x0  }
0x1c: {  	[sflag:s15] =	ssyncadd.s32 @!p0 $0xFFFFFF83  }
0x1d: {  	s31 =	simm.s32 $0x0;
	[bflag:$0x0] =	sbarrier.arrive $0xFFFF  }
0x1e: {  	[spmem:s2] =	stream.indirect.scatter.add.f32 [tilespmem:s12], [sflag:$0x1], $0x1, s31, s11, $0xb8;
	[tilespmem:$0x2B88] =	vst v63  }
0x1f: {  	_ =	swait.ge [sflag:s8], $0x64  }
0x20: {  	s15 =	simm.s32 $0x1A0;
	[sflag:s8] =	ssyncset.done $0x0  }
.LBB2_2:
0x21: {  	s16 =	sshra.s32 s15, $0x2;
	[sflag:s8] =	ssyncadd.s32 $0xFFFFFF9C;
	p1 =	sne.s32 s15, $0xA0E0  }
0x22: {  	[spmem:s2] =	stream.indirect.scatter.add.f32 [tilespmem:s12], [sflag:$0x1], $0x1, s16, s11, $0xb8;
	[tilespmem:$0x2B88] =	vst v63  }
.Ltmp0:
0x23: {  	_ = 	snop;
	(pc) =	sbr.rel @p1 .LBB2_2-.Ltmp0, $4  }
0x24: {  	_ = 	snop  }
0x25: {  	s15 =	sadd.s32 $0x1A0, s15  }
0x26: {  	_ =	swait.ge [sflag:s8], $0x64  }
0x27: {  	[sflag:s8] =	ssyncset.done $0x0  }
0x28: {  	s14 =	sadd.s32 $0x1, s14  }
0x29: {  	[sflag:s8] =	ssyncadd.s32 $0xFFFFFF9C;
	p1 =	sne.s32 s14, s7  }
.Ltmp1:
0x2a: {  	s15 =	simm.s32 @!p0 $0x1;
	[bflag:$0x0] =	sbarrier.arrive $0xFFFF;
	(pc) =	sbr.rel @p1 .LBB2_1-.Ltmp1, $4  }
0x2b: {  	[hbm:s6], [sflag:s9] =	dma.local @!p0 [spmem:s13], $0x7D  }
0x2c: {  	_ =	swait.ge @!p0 [sflag:s15], $0x7D  }
0x2d: {  	[sflag:s15] =	ssyncset.done @!p0 $0x0  }
0x2e: {  	[sflag:s15] =	ssyncadd.s32 @!p0 $0xFFFFFF83  }
0x2f: {  	_ =	sfence.sel $0x180000  }
0x30: {  	[bflag:$0x0] =	sbarrier.arrive $0xFFFF  }
0x31: {  	p0 =	sne.s32 s0, $0x0;
	_ =	strace $0x90000047  }
0x32: {  	s0 =	sadd.s32 @!p0 $0x100000, s1;
	[bflag:$0x2] =	sbarrier.arrive $0xFFFF  }
0x33: {  	[sflag:s0] =	ssyncadd.tile.s32 @!p0 $0x1;
	_ =	shalt  }
.Lfunc_end2:
_tile_overlayer_lowered:
.L_overlay_start_2:
0x34: {  	(tag) =	ssettag $0x2  }
0x35: {  	s0 =	rddreg [dreg:$0x0];
	s2 =	stileid.u32  }
0x36: {  	s1 =	rddreg [dreg:$0x1];
	p0 =	sne.s32 s2, $0x0  }
0x37: {  	s3 =	rddreg [dreg:$0x2];
	[bflag:$0x3] =	sbarrier.arrive $0xFFFF;
	s2 =	simm.s32 @!p0 $0x1C01  }
0x38: {  	[timem:s3], [sflag:s2] =	dma.local @!p0 [hbm:s0], s1  }
0x39: {  	s0 =	simm.s32 @!p0 $0x1  }
0x3a: {  	_ =	swait.ge @!p0 [sflag:s0], s1  }
0x3b: {  	s1 =	ssub.s32 @!p0 $0x0, s1;
	[sflag:s0] =	ssyncset.done @!p0 $0x0  }
0x3c: {  	[sflag:s0] =	ssyncadd.s32 @!p0 s1  }
0x3d: {  	[bflag:$0x3] =	sbarrier.arrive $0xFFFF  }
0x3e: {  	_ =	shalt  }

// kernel: kernel.9.cloned.1.call-start
scs
__scs_entry_jumppad:
0x0: {  	(pc) =	sbr.rel $0x88, $3  }
0x1: {  	(tag) =	ssettag $0x0;
	lr =	simm.s32 $0x1  }
0x2: {  	[smem:$0x3F9D] =	sst lr;
	_ =	strace $0xD0000000  }
0x3: {  	_ = 	snop  }
0x4: {  	_ = 	snop  }
0x5: {  	_ = 	snop  }
0x6: {  	_ = 	snop  }
0x7: {  	_ = 	snop  }
__scs_overlays_trampoline_lowered:
0x8: {  	[smem:$0x3FAC] =	sst s0  }
0x9: {  	[smem:$0x3FAD] =	sst s1  }
0xa: {  	[smem:$0x3FAE] =	sst s2  }
0xb: {  	[smem:$0x3FAF] =	sst s3  }
0xc: {  	[smem:$0x3FB0] =	sst s4  }
0xd: {  	[smem:$0x3FB1] =	sst s5  }
0xe: {  	[smem:$0x3FB2] =	sst s6  }
0xf: {  	[smem:$0x3FB3] =	sst s7  }
0x10: {  	[smem:$0x3FB4] =	sst s8  }
0x11: {  	[smem:$0x3FB5] =	sst s9;
	s0 =	simm.s32 @!p0 $0x0  }
0x12: {  	s1 =	sld [smem:$0x3F9B];
	s0 =	simm.s32 @p0 $0x1  }
0x13: {  	[smem:$0x3FB6] =	sst s0;
	s0 =	simm.s32 @!p1 $0x0  }
0x14: {  	s2 =	sld [smem:$0x3F9A];
	s0 =	simm.s32 @p1 $0x1  }
0x15: {  	[smem:$0x3FB7] =	sst s0;
	s0 =	simm.s32 @!p2 $0x0  }
0x16: {  	s3 =	sld [smem:$0x3FDB];
	s0 =	simm.s32 @p2 $0x1  }
0x17: {  	s4 =	simm.s32 $0x1BF5;
	[smem:$0x3FB9] =	sst s0  }
0x18: {  	s0 =	sld [smem:$0x3F9C];
	_ =	swait.ge [sflag:s4], $0x0  }
0x19: {  	s7 =	sld [smem:$0x3F9D]  }
0x1a: {  	s8 =	sadd.s32 $0xFFFFE003, lr  }
0x1b: {  	s9 =	sadd.s32 $0xFFFFFEF7, lr;
	s5 =	simm.s32 $0xFFFFFFFF;
	p2 =	slt.u32 s8, $0xFFFFF086  }
0x1c: {  	p1 =	slt.u32 s9, $0xF7A;
	s5 =	simm.s32 @!p2 $0x0  }
0x1d: {  	s5 =	simm.s32 @p1 $0x1;
	p0 =	seq.s32 s7, s2  }
0x1e: {  	s7 =	smul.u32 @!p0 $0xF7A, s2;
	p2 =	seq.s32 @!p0 s5, $0x0  }
0x1f: {  	s9 =	smul.u32 $0xF7A, s1;
	s8 =	simm.s32 @!p0 $0x1BF5;
	p2 =	por !p2, p0  }
0x20: {  	[sflag:s8] =	ssyncset.s32 @!p0 $0xFFFFF086;
	s6 =	sadd.s32 @!p0 s3, s7;
	s7 =	simm.s32 @!p0 $0x108  }
0x21: {  	s3 =	sadd.s32 s3, s9;
	s6 =	sadd.s32 @!p0 $0x88, s6;
	s7 =	simm.s32 @p2 $0x1082  }
0x22: {  	[simem:s7], [sflag:s8] =	dma.local @!p0 [hbm:s6], $0xF7A  }
0x23: {  	s9 =	sor.u32 $0xD0000000, s2;
	s6 =	simm.s32 $0x108;
	_ =	swait.ge @!p0 [sflag:s8], $0x0  }
0x24: {  	s3 =	sadd.s32 $0x88, s3;
	s6 =	simm.s32 @!p1 $0x1082;
	[sflag:s4] =	ssyncset.s32 $0xFFFFF086  }
0x25: {  	[simem:s6], [sflag:s4] =	dma.local [hbm:s3], $0xF7A  }
0x26: {  	[smem:$0x3F9D] =	sst s1;
	(tag) =	ssettag s2;
	_ =	strace s9  }
0x27: {  	s1 =	sld [smem:$0x3FAD]  }
0x28: {  	s2 =	sld [smem:$0x3FAE]  }
0x29: {  	s4 =	sld [smem:$0x3FB0]  }
0x2a: {  	p0 =	seq.s32 s5, $0x0;
	s5 =	sld [smem:$0x3FB1]  }
0x2b: {  	s6 =	sld [smem:$0x3FB2]  }
0x2c: {  	s7 =	sld [smem:$0x3FB3]  }
0x2d: {  	s3 =	simm.s32 $0x108;
	s8 =	sld [smem:$0x3FB4]  }
0x2e: {  	s3 =	simm.s32 @!p0 $0x1082;
	s9 =	sld [smem:$0x3FB5]  }
0x2f: {  	lr =	sadd.s32 s0, s3;
	s0 =	sld [smem:$0x3FAC]  }
0x30: {  	s3 =	sld [smem:$0x3FAF]  }
0x31: {  	[smem:$0x3FB8] =	sst s10  }
0x32: {  	s10 =	sld [smem:$0x3FB6];
	_ =	sdelay $0x3  }
0x33: {  	p0 =	seq.s32 s10, $0x1;
	s10 =	sld [smem:$0x3FB8];
	_ =	sdelay $0x3  }
0x34: {  	[smem:$0x3FB8] =	sst s10  }
0x35: {  	s10 =	sld [smem:$0x3FB7];
	_ =	sdelay $0x3  }
0x36: {  	p1 =	seq.s32 s10, $0x1;
	s10 =	sld [smem:$0x3FB8];
	_ =	sdelay $0x3  }
0x37: {  	[smem:$0x3FB8] =	sst s10  }
0x38: {  	s10 =	sld [smem:$0x3FB9]  }
0x39: {  	_ = 	snop;
	(pc) =	sbr.ind lr, $3  }
0x3a: {  	_ = 	snop  }
0x3b: {  	_ = 	snop  }
0x3c: {  	p2 =	seq.s32 s10, $0x1;
	s10 =	sld [smem:$0x3FB8]  }
0x3d: {  	_ =	shalt  }
0x3e: {  	_ =	shalt  }
0x3f: {  	_ =	shalt  }
0x40: {  	_ =	shalt  }
0x41: {  	_ =	shalt  }
0x42: {  	_ =	shalt  }
0x43: {  	_ =	shalt  }
0x44: {  	_ =	shalt  }
0x45: {  	_ =	shalt  }
0x46: {  	_ =	shalt  }
0x47: {  	_ =	shalt  }
0x48: {  	_ =	shalt  }
0x49: {  	_ =	shalt  }
0x4a: {  	_ =	shalt  }
0x4b: {  	_ =	shalt  }
0x4c: {  	_ =	shalt  }
0x4d: {  	_ =	shalt  }
0x4e: {  	_ =	shalt  }
0x4f: {  	_ =	shalt  }
0x50: {  	_ =	shalt  }
0x51: {  	_ =	shalt  }
0x52: {  	_ =	shalt  }
0x53: {  	_ =	shalt  }
0x54: {  	_ =	shalt  }
0x55: {  	_ =	shalt  }
0x56: {  	_ =	shalt  }
0x57: {  	_ =	shalt  }
0x58: {  	_ =	shalt  }
0x59: {  	_ =	shalt  }
0x5a: {  	_ =	shalt  }
0x5b: {  	_ =	shalt  }
0x5c: {  	_ =	shalt  }
0x5d: {  	_ =	shalt  }
0x5e: {  	_ =	shalt  }
0x5f: {  	_ =	shalt  }
0x60: {  	_ =	shalt  }
0x61: {  	_ =	shalt  }
0x62: {  	_ =	shalt  }
0x63: {  	_ =	shalt  }
0x64: {  	_ =	shalt  }
0x65: {  	_ =	shalt  }
0x66: {  	_ =	shalt  }
0x67: {  	_ =	shalt  }
0x68: {  	_ =	shalt  }
0x69: {  	_ =	shalt  }
0x6a: {  	_ =	shalt  }
0x6b: {  	_ =	shalt  }
0x6c: {  	_ =	shalt  }
0x6d: {  	_ =	shalt  }
0x6e: {  	_ =	shalt  }
0x6f: {  	_ =	shalt  }
0x70: {  	_ =	shalt  }
0x71: {  	_ =	shalt  }
0x72: {  	_ =	shalt  }
0x73: {  	_ =	shalt  }
0x74: {  	_ =	shalt  }
0x75: {  	_ =	shalt  }
0x76: {  	_ =	shalt  }
0x77: {  	_ =	shalt  }
0x78: {  	_ =	shalt  }
0x79: {  	_ =	shalt  }
0x7a: {  	_ =	shalt  }
0x7b: {  	_ =	shalt  }
0x7c: {  	_ =	shalt  }
0x7d: {  	_ =	shalt  }
0x7e: {  	_ =	shalt  }
0x7f: {  	_ =	shalt  }
0x80: {  	_ =	shalt  }
0x81: {  	_ =	shalt  }
0x82: {  	_ =	shalt  }
0x83: {  	_ =	shalt  }
0x84: {  	_ =	shalt  }
0x85: {  	_ =	shalt  }
0x86: {  	_ =	shalt  }
0x87: {  	_ =	shalt  }
.Lfunc_end0:
.L_simem_size_0:
called_computation.1_lowered:
.L_overlay_start_0:
0x88: {  	s2 =	sld [smem:$0x3FD9]  }
0x89: {  	s3 =	sld [smem:$0x3FFE];
	_ =	sdelay $0x1  }
0x8a: {  	s1 =	srdreg.scid  }
0x8b: {  	s0 =	sand.u32 $0x1, s1  }
0x8c: {  	s17 =	sshll.u32 s0, $0xA;
	s2 =	sadd.s32 s3, s2  }
0x8d: {  	s2 =	sadd.s32 s2, s17  }
0x8e: {  	[smem:$0x3FC4] =	sst s2  }
0x8f: {  	_ = 	snop  }
0x90: {  	s2 =	sld [smem:$0x3FD0];
	(tm) =	ssettm $0x1  }
0x91: {  	s18 =	sld [smem:$0x3FFB];
	_ =	sdelay $0x3  }
0x92: {  	_ =	strace s18  }
0x93: {  	s3 =	sld [smem:$0x3FFC];
	_ =	sdelay $0x3  }
0x94: {  	_ =	strace s3  }
0x95: {  	s3 =	sld [smem:$0x3FFD];
	_ =	sdelay $0x3  }
0x96: {  	_ =	strace s3  }
0x97: {  	_ =	strace $0x8FFFFFFF  }
0x98: {  	s19 =	sld [smem:$0x3FDB];
	_ =	sdelay $0x1  }
0x99: {  	s4 =	simm.s32 $_scs_section_size  }
0x9a: {  	s5 =	simm.s32 $_size__tile_overlayer_lowered;
	s6 =	simm.s32 $_tile_overlayer_lowered  }
0x9b: {  	s22 =	simm.s32 $0x1BFF;
	s21 =	sshll.u32 s6, $0x1;
	s3 =	sadd.s32 s4, s19  }
0x9c: {  	s7 =	simm.s32 $0x0;
	s20 =	sshll.u32 s5, $0x1;
	s5 =	sadd.s32 s21, s3  }
0x9d: {  	[timem:s7], [sflag:s22] =	dma.local [hbm:s5], s20  }
0x9e: {  	_ =	swait.ge [sflag:s22], s20  }
0x9f: {  	s4 =	ssub.s32 $0x0, s20;
	[sflag:s22] =	ssyncset.done $0x0  }
0xa0: {  	[sflag:s22] =	ssyncadd.s32 s4;
	_ =	sdelay $0x1  }
0xa1: {  	s23 =	simm.s32 $0x1B8B  }
0xa2: {  	_ =	swait.ge [sflag:s23], $0x1  }
0xa3: {  	[sflag:s23] =	ssyncset.done $0x0  }
0xa4: {  	s25 =	simm.s32 $0x1B8E;
	s24 =	sld [smem:$0x3FFE];
	[sflag:s23] =	ssyncadd.s32 $0xFFFFFFFF  }
0xa5: {  	s26 =	simm.s32 $execute0_lowered;
	[smem:$0x3FD2] =	sst s25  }
0xa6: {  	s5 =	sshll.u32 s26, $0x1;
	_ =	strace $0x80000049;
	[dreg:$0x1] =	wrdreg $0xFFFFFFFF  }
0xa7: {  	s28 =	simm.s32 $_size_execute0_lowered;
	s3 =	sadd.s32 s3, s5;
	[dreg:$0x0] =	wrdreg $0x0  }
0xa8: {  	s5 =	sshll.u32 s28, $0x1;
	[dreg:$0x2] =	wrdreg s3  }
0xa9: {  	[dreg:$0x3] =	wrdreg s5  }
0xaa: {  	[dreg:$0x4] =	wrdreg $0xC0  }
0xab: {  	_ =	task [dreg:s7], $0x5FFFF  }
0xac: {  	[dreg:$0x1] =	wrdreg $0xFFFFFFFF  }
0xad: {  	[dreg:$0x0] =	wrdreg $0x60  }
0xae: {  	[dreg:$0x2] =	wrdreg s2  }
0xaf: {  	[dreg:$0x3] =	wrdreg s24  }
0xb0: {  	[dreg:$0x4] =	wrdreg $0xB5400  }
0xb1: {  	[dreg:$0x5] =	wrdreg $0x9  }
0xb2: {  	_ =	task.clear_ibuf [dreg:s7], $0x6FFFF;
	_ =	strace $0x90000049  }
0xb3: {  	s29 =	simm.s32 $0x9;
	_ =	strace $0x8000004B  }
0xb4: {  	_ =	swait.ge [sflag:s29], $0x1  }
0xb5: {  	[sflag:s29] =	ssyncadd.s32 $0xFFFFFFFF  }
0xb6: {  	_ =	strace $0x9000004B  }
0xb7: {  	_ =	sfence  }
0xb8: {  	s30 =	sld [smem:$0x0];
	_ =	sdelay $0x2  }
0xb9: {  	s31 =	sshll.u32 s1, $0xD;
	s1 =	sshrl.u32 s1, $0x2  }
0xba: {  	s3 =	sand.u32 $0x4000, s31;
	s1 =	sadd.s32 s1, s30  }
0xbb: {  	s0 =	sor.u32 s3, s0;
	s1 =	sshll.u32 s1, $0x11  }
0xbc: {  	s0 =	sor.u32 s1, s0  }
0xbd: {  	s0 =	sadd.s32 $0x8F2B, s0  }
0xbe: {  	[sflag:s0] =	ssyncadd.remote.s32 $0x1  }
0xbf: {  	_ =	sfence.sel $0xFFFF  }
0xc0: {  	[dreg:$0x0] =	wrdreg $0xFFFFFFFF;
	(pc) =	sbr.abs _section_cstart, $3  }
0xc1: {  	[dreg:$0x1] =	wrdreg $0xFFFFFFFF  }
0xc2: {  	_ =	task.clear_ibuf [dreg:s7], $0x2FFFF;
	_ =	strace $0x9FFFFFFF  }
0xc3: {  	(tm) =	ssettm $0x7FFFFFFF  }
tec
execute0_lowered:
.L_overlay_start_1:
0x0: {  	(tag) =	ssettag $0x1  }
0x1: {  	s2 =	rddreg [dreg:$0x0]  }
0x2: {  	s6 =	rddreg [dreg:$0x1]  }
0x3: {  	s0 =	srdreg.scid;
	s3 =	rddreg [dreg:$0x2];
	s4 =	simm.s32 $0x0  }
0x4: {  	s12 =	simm.s32 $0x64;
	s13 =	simm.s32 $0x5140;
	s14 =	simm.s32 $0x68  }
0x5: {  	s15 =	simm.s32 $0x8340;
	s18 =	simm.s32 $0x1;
	s19 =	simm.s32 $0x2  }
0x6: {  	s20 =	simm.s32 $0x5070;
	s21 =	simm.s32 $0x50D8;
	s5 =	sand.u32 $0x1, s0  }
0x7: {  	s23 =	simm.s32 $0x0;
	s0 =	stileid.u32;
	s8 =	smul.u32 $0x138800, s5  }
0x8: {  	[smem:$0x7FF] =	sst s4;
	s1 =	sshll.u32 s5, $0x4;
	s9 =	smul.u32 $0x1F400, s0  }
0x9: {  	s10 =	ssub.s32 $0x2, s5;
	s11 =	smul.u32 $0x7D000, s0;
	s5 =	sadd.s32 $0x15C00, s6  }
0xa: {  	p0 =	sgt.u32 s0, $0x9;
	s1 =	sor.u32 s0, s1;
	s31 =	sshrl.u32 s10, $0x1  }
0xb: {  	s16 =	sshll.u32 @!p0 s0, $0x6;
	s7 =	smul.u32 $0x514, s1;
	s1 =	rddreg [dreg:$0x3]  }
0xc: {  	_ =	strace $0x8000004A;
	s8 =	sadd.s32 s9, s8;
	s10 =	ssub.s32 s10, s31  }
0xd: {  	s11 =	sshrl.u32 s11, $0x2;
	s22 =	sadd.s32 s9, s3;
	s16 =	sor.u32 @!p0 $0x1C03, s16  }
0xe: {  	s8 =	sshrl.u32 s8, $0x3;
	s17 =	sadd.s32 s11, s3;
	s9 =	smax.u32 s10, $0x1  }
0xf: {  	s10 =	simm.s32 $0x3;
	s11 =	simm.s32 $0x28A0;
	s22 =	sshrl.u32 @!p0 s22, $0x3  }
0x10: {  	s7 =	sadd.s32 s7, s6;
	s8 =	sadd.s32 s8, s6;
	s17 =	sshrl.u32 @!p0 s17, $0x3  }
0x11: {  	s6 =	sadd.s32 $0xB800, s7;
	s7 =	sadd.s32 $0x1200, s7;
	s8 =	sadd.s32 $0x19C00, s8  }
.LBB2_1:
0x12: {  	[tilespmem:s4], [sflag:$0x3] =	stream.linear.gather [hbm4b:s6+s4], $0x28A0, $0x38;
	[tilespmem:$0x1EDC0] =	vst v63  }
0x13: {  	_ =	swait.ge [sflag:s10], $0x28A0  }
0x14: {  	[sflag:s10] =	ssyncset.done $0x0  }
0x15: {  	[sflag:s10] =	ssyncadd.s32 $0xFFFFD760  }
0x16: {  	[tilespmem:s11], [sflag:$0x3] =	stream.linear.gather [hbm4b:s7+s4], $0x28A0, $0x38;
	[tilespmem:$0x1EDC0] =	vst v63  }
0x17: {  	_ =	swait.ge [sflag:s10], $0x28A0  }
0x18: {  	[sflag:s10] =	ssyncset.done $0x0  }
0x19: {  	[sflag:s10] =	ssyncadd.s32 $0xFFFFD760  }
0x1a: {  	[tilespmem:s13], [sflag:$0x1] =	stream.indirect.gather [hbm4b:s2+s12], $0x80, s4, s12, $0xb8;
	[tilespmem:$0x1EDC0] =	vst v63  }
0x1b: {  	s24 =	simm.s32 @!p0 $0x3  }
0x1c: {  	[tilespmem:s15], [sflag:$0x2] =	stream.indirect.gather [hbm4b:s2+s12], $0x80, s14, s12, $0xb8;
	[tilespmem:$0x1EDC0] =	vst v63  }
0x1d: {  	[spmem:s17], [sflag:s16] =	dma.local @!p0 [hbm:s5], $0x3E80  }
0x1e: {  	_ =	swait.ge @!p0 [sflag:s24], $0x3E80  }
0x1f: {  	[sflag:s24] =	ssyncset.done @!p0 $0x0  }
0x20: {  	[sflag:s24] =	ssyncadd.s32 @!p0 $0xFFFFC180  }
0x21: {  	[bflag:$0x0] =	sbarrier.arrive $0xFFFF  }
0x22: {  	_ =	swait.ge [sflag:s18], $0x3200  }
0x23: {  	[sflag:s18] =	ssyncset.done $0x0  }
0x24: {  	s29 =	simm.s32 $0x28A0;
	[sflag:s18] =	ssyncadd.s32 $0xFFFFCE00  }
0x25: {  	[spmem:s3] =	stream.indirect.scatter.add.f32 [tilespmem:s13], [sflag:$0x3], $0x80, s29, s12, $0xb8;
	[tilespmem:$0x1EDC0] =	vst v63  }
0x26: {  	_ =	swait.ge [sflag:s10], $0x3200  }
0x27: {  	[sflag:s10] =	ssyncset.done $0x0  }
0x28: {  	s30 =	simm.s32 $0xD0;
	[sflag:s10] =	ssyncadd.s32 $0xFFFFCE00  }
0x29: {  	[tilespmem:s13], [sflag:$0x1] =	stream.indirect.gather [hbm4b:s2+s12], $0x80, s30, s12, $0xb8;
	[tilespmem:$0x1EDC0] =	vst v63  }
0x2a: {  	_ =	swait.ge [sflag:s19], $0x3200  }
0x2b: {  	[sflag:s19] =	ssyncset.done $0x0  }
0x2c: {  	s31 =	simm.s32 $0x2908;
	[sflag:s19] =	ssyncadd.s32 $0xFFFFCE00  }
0x2d: {  	[spmem:s3] =	stream.indirect.scatter.add.f32 [tilespmem:s15], [sflag:$0x3], $0x80, s31, s12, $0xb8;
	[tilespmem:$0x1EDC0] =	vst v63  }
0x2e: {  	_ =	swait.ge [sflag:s10], $0x3200  }
0x2f: {  	[sflag:s10] =	ssyncset.done $0x0  }
0x30: {  	s25 =	simm.s32 $0x138;
	s24 =	simm.s32 $0x340;
	[sflag:s10] =	ssyncadd.s32 $0xFFFFCE00  }
.LBB2_2:
0x31: {  	[tilespmem:s15], [sflag:$0x2] =	stream.indirect.gather [hbm4b:s2+s12], $0x80, s25, s12, $0xb8;
	[tilespmem:$0x1EDC0] =	vst v63  }
0x32: {  	s25 =	smov.u32 s24  }
0x33: {  	p1 =	sne.s32 s24, $0x9C00;
	s24 =	sadd.s32 $0x340, s24;
	_ =	swait.ge [sflag:s18], $0x3200  }
0x34: {  	s25 =	sshra.s32 s25, $0x2;
	[sflag:s18] =	ssyncset.done $0x0  }
0x35: {  	s26 =	sadd.s32 $0x28A0, s25;
	[sflag:s18] =	ssyncadd.s32 $0xFFFFCE00  }
0x36: {  	[spmem:s3] =	stream.indirect.scatter.add.f32 [tilespmem:s13], [sflag:$0x3], $0x80, s26, s12, $0xb8;
	[tilespmem:$0x1EDC0] =	vst v63  }
0x37: {  	_ =	swait.ge [sflag:s10], $0x3200  }
0x38: {  	[sflag:s10] =	ssyncset.done $0x0  }
0x39: {  	s26 =	sadd.s32 $0xD0, s25;
	[sflag:s10] =	ssyncadd.s32 $0xFFFFCE00  }
0x3a: {  	[tilespmem:s13], [sflag:$0x1] =	stream.indirect.gather [hbm4b:s2+s12], $0x80, s26, s12, $0xb8;
	[tilespmem:$0x1EDC0] =	vst v63  }
0x3b: {  	_ =	swait.ge [sflag:s19], $0x3200  }
0x3c: {  	[sflag:s19] =	ssyncset.done $0x0  }
.Ltmp0:
0x3d: {  	s26 =	sadd.s32 $0x2908, s25;
	[sflag:s19] =	ssyncadd.s32 $0xFFFFCE00;
	(pc) =	sbr.rel @p1 .LBB2_2-.Ltmp0, $4  }
0x3e: {  	[spmem:s3] =	stream.indirect.scatter.add.f32 [tilespmem:s15], [sflag:$0x3], $0x80, s26, s12, $0xb8;
	[tilespmem:$0x1EDC0] =	vst v63  }
0x3f: {  	_ =	swait.ge [sflag:s10], $0x3200  }
0x40: {  	[sflag:s10] =	ssyncset.done $0x0  }
0x41: {  	s25 =	sadd.s32 $0x138, s25;
	[sflag:s10] =	ssyncadd.s32 $0xFFFFCE00  }
0x42: {  	[tilespmem:s15], [sflag:$0x2] =	stream.indirect.gather [hbm4b:s2+s12], $0x80, s25, s12, $0xb8;
	[tilespmem:$0x1EDC0] =	vst v63  }
0x43: {  	_ =	swait.ge [sflag:s18], $0x3200  }
0x44: {  	[sflag:s18] =	ssyncset.done $0x0  }
0x45: {  	[sflag:s18] =	ssyncadd.s32 $0xFFFFCE00  }
0x46: {  	[spmem:s3] =	stream.indirect.scatter.add.f32 [tilespmem:s13], [sflag:$0x3], $0x80, s20, s12, $0xb8;
	[tilespmem:$0x1EDC0] =	vst v63  }
0x47: {  	_ =	swait.ge [sflag:s10], $0x3200  }
0x48: {  	[sflag:s10] =	ssyncset.done $0x0  }
0x49: {  	[sflag:s10] =	ssyncadd.s32 $0xFFFFCE00  }
0x4a: {  	_ =	swait.ge [sflag:s19], $0x3200  }
0x4b: {  	[sflag:s19] =	ssyncset.done $0x0  }
0x4c: {  	[sflag:s19] =	ssyncadd.s32 $0xFFFFCE00  }
0x4d: {  	[spmem:s3] =	stream.indirect.scatter.add.f32 [tilespmem:s15], [sflag:$0x3], $0x80, s21, s12, $0xb8;
	[tilespmem:$0x1EDC0] =	vst v63  }
0x4e: {  	_ =	swait.ge [sflag:s10], $0x3200  }
0x4f: {  	s23 =	sadd.s32 $0x1, s23;
	[sflag:s10] =	ssyncset.done $0x0  }
0x50: {  	p1 =	sne.s32 s23, s9;
	[sflag:s10] =	ssyncadd.s32 $0xFFFFCE00  }
.Ltmp1:
0x51: {  	s24 =	simm.s32 @!p0 $0x3;
	[bflag:$0x0] =	sbarrier.arrive $0xFFFF;
	(pc) =	sbr.rel @p1 .LBB2_1-.Ltmp1, $4  }
0x52: {  	[hbm:s8], [sflag:s16] =	dma.local @!p0 [spmem:s22], $0x3E80  }
0x53: {  	_ =	swait.ge @!p0 [sflag:s24], $0x3E80  }
0x54: {  	[sflag:s24] =	ssyncset.done @!p0 $0x0  }
0x55: {  	[sflag:s24] =	ssyncadd.s32 @!p0 $0xFFFFC180  }
0x56: {  	_ =	sfence.sel $0x180000  }
0x57: {  	[bflag:$0x0] =	sbarrier.arrive $0xFFFF  }
0x58: {  	p0 =	sne.s32 s0, $0x0;
	_ =	strace $0x9000004A  }
0x59: {  	s0 =	sadd.s32 @!p0 $0x100000, s1;
	[bflag:$0x2] =	sbarrier.arrive $0xFFFF  }
0x5a: {  	[sflag:s0] =	ssyncadd.tile.s32 @!p0 $0x1;
	_ =	shalt  }
.Lfunc_end2:
_tile_overlayer_lowered:
.L_overlay_start_2:
0x5b: {  	(tag) =	ssettag $0x2  }
0x5c: {  	s0 =	rddreg [dreg:$0x0];
	s2 =	stileid.u32  }
0x5d: {  	s1 =	rddreg [dreg:$0x1];
	p0 =	sne.s32 s2, $0x0  }
0x5e: {  	s3 =	rddreg [dreg:$0x2];
	[bflag:$0x3] =	sbarrier.arrive $0xFFFF;
	s2 =	simm.s32 @!p0 $0x1C03  }
0x5f: {  	[timem:s3], [sflag:s2] =	dma.local @!p0 [hbm:s0], s1  }
0x60: {  	s0 =	simm.s32 @!p0 $0x3  }
0x61: {  	_ =	swait.ge @!p0 [sflag:s0], s1  }
0x62: {  	s1 =	ssub.s32 @!p0 $0x0, s1;
	[sflag:s0] =	ssyncset.done @!p0 $0x0  }
0x63: {  	[sflag:s0] =	ssyncadd.s32 @!p0 s1  }
0x64: {  	[bflag:$0x3] =	sbarrier.arrive $0xFFFF  }
0x65: {  	_ =	shalt  }

</sc_bundles>
